<compile_context>
chip_gen: v7x
topology: tpu7x:2x2x1
jax: 0.10.2.dev20260603
libtpu: 0.0.44.dev20260713+nightly
codegen_flags: <defaults>
</compile_context>

<pallas_src>
import functools

import jax
import jax.numpy as jnp
from jax import lax
from jax.experimental import pallas as pl
from jax.experimental.pallas import tpu as pltpu
from jax.experimental.pallas import tpu_sc as plsc

D_MODEL = 128
MAX_LEN = 1000

_NUM_CORES = 2
_NUM_SUBCORES = 16
_NUM_WORKERS = _NUM_CORES * _NUM_SUBCORES
_LANES = 16
_REPLICAS = 8
_DEPTH = 3

_CHUNK = 128


def _sc_body(x_hbm, ts_hbm, pe_hbm, out_hbm, idx_all, xbuf, perows,
             sem_in, sem_wb, *, chunks_per_worker):
    wid = lax.axis_index("s") * _NUM_CORES + lax.axis_index("c")
    idx_row0 = wid * chunks_per_worker
    row0 = idx_row0 * _CHUNK
    pe_copy = pe_hbm.at[lax.rem(wid, _REPLICAS)]

    pltpu.sync_copy(ts_hbm.at[pl.ds(idx_row0, chunks_per_worker)], idx_all)

    def clamp_row(c, carry):
        for j in range(_CHUNK // _LANES):
            s = pl.ds(j * _LANES, _LANES)
            idx_all[c, s] = jnp.minimum(jnp.maximum(idx_all[c, s], 0),
                                        MAX_LEN - 1)
        return carry

    lax.fori_loop(0, chunks_per_worker, clamp_row, 0, unroll=False)

    def start_fetch(c, slot):
        pltpu.async_copy(pe_copy.at[idx_all.at[c]], perows.at[slot],
                         sem_in.at[slot])
        pltpu.async_copy(x_hbm.at[pl.ds(row0 + c * _CHUNK, _CHUNK)],
                         xbuf.at[slot], sem_in.at[slot])

    def wait_fetch(c, slot):
        pltpu.make_async_copy(pe_copy.at[idx_all.at[c]], perows.at[slot],
                              sem_in.at[slot]).wait()
        pltpu.make_async_copy(x_hbm.at[pl.ds(row0 + c * _CHUNK, _CHUNK)],
                              xbuf.at[slot], sem_in.at[slot]).wait()

    def wait_wb(c, slot):
        pltpu.make_async_copy(xbuf.at[slot],
                              out_hbm.at[pl.ds(row0 + c * _CHUNK, _CHUNK)],
                              sem_wb.at[slot]).wait()

    def step(c, slot):
        nslot = (slot + 1) % _DEPTH

        @pl.when(c + 1 < chunks_per_worker)
        def _():
            @pl.when(c + 1 >= _DEPTH)
            def _():
                wait_wb(c + 1 - _DEPTH, nslot)
            start_fetch(c + 1, nslot)

        wait_fetch(c, slot)

        def add_row(r, carry2, slot=slot):
            for j in range(D_MODEL // _LANES):
                s = pl.ds(j * _LANES, _LANES)
                xbuf[slot, r, s] = xbuf[slot, r, s] + perows[slot, r, s]
            return carry2

        lax.fori_loop(0, _CHUNK, add_row, 0, unroll=False)

        pltpu.async_copy(xbuf.at[slot],
                         out_hbm.at[pl.ds(row0 + c * _CHUNK, _CHUNK)],
                         sem_wb.at[slot])

    start_fetch(0, 0)

    main_trips = chunks_per_worker // _DEPTH

    def group_body(g, carry):
        for slot in range(_DEPTH):
            step(g * _DEPTH + slot, slot)
        return carry

    lax.fori_loop(0, main_trips, group_body, 0, unroll=False)
    for c in range(main_trips * _DEPTH, chunks_per_worker):
        step(c, c % _DEPTH)

    for c in range(chunks_per_worker - _DEPTH, chunks_per_worker):
        wait_wb(c, c % _DEPTH)


def kernel(x, timestamps, pe):
    batch, seq, d = x.shape
    n = batch * seq
    assert d == D_MODEL and n % (_NUM_WORKERS * _CHUNK) == 0
    chunks_per_worker = n // (_NUM_WORKERS * _CHUNK)
    assert chunks_per_worker >= 2 * _DEPTH

    x2 = x.reshape(n, d)
    ts2 = timestamps.astype(jnp.int32).reshape(n // _CHUNK, _CHUNK)
    pe_rep = jnp.broadcast_to(pe, (_REPLICAS,) + pe.shape)

    mesh = plsc.VectorSubcoreMesh(core_axis_name="c", subcore_axis_name="s")
    body = functools.partial(_sc_body, chunks_per_worker=chunks_per_worker)
    out = pl.kernel(
        body,
        out_type=jax.ShapeDtypeStruct((n, d), jnp.float32),
        mesh=mesh,
        scratch_types=[
            pltpu.VMEM((chunks_per_worker, _CHUNK), jnp.int32),
            pltpu.VMEM((_DEPTH, _CHUNK, D_MODEL), jnp.float32),
            pltpu.VMEM((_DEPTH, _CHUNK, D_MODEL), jnp.float32),
            pltpu.SemaphoreType.DMA((_DEPTH,)),
            pltpu.SemaphoreType.DMA((_DEPTH,)),
        ],
    )(x2, ts2, pe_rep)
    return out.reshape(batch, seq, d)

# --- scband reference (transcript-rebuilt; emitter-appended) ---
"""Pipeline reference for scband-temporal-positional-encoding-85899346421 (READ-ONLY COPY).

The authoritative reference and input builder live on the scoring server;
editing this copy changes nothing except your own understanding.
"""

import jax, jax.numpy as jnp
import numpy as np

D_MODEL = 128
MAX_LEN = 1000
BATCH = 4096
SEQ = 200

def _make_pe():
    position = np.arange(MAX_LEN, dtype=np.float32)[:, None]
    div_term = np.exp(np.arange(0, D_MODEL, 2, dtype=np.float32) * (-np.log(10000.0) / D_MODEL))
    pe = np.zeros((MAX_LEN, D_MODEL), dtype=np.float32)
    pe[:, 0::2] = np.sin(position * div_term)
    pe[:, 1::2] = np.cos(position * div_term)
    return jnp.asarray(pe)

def setup_inputs(seed: int = 0) -> dict:
    key = jax.random.key(seed)
    k1, k2 = jax.random.split(key, 2)
    x = jax.random.normal(k1, (BATCH, SEQ, D_MODEL), dtype=jnp.float32)
    timestamps = jax.random.randint(k2, (BATCH, SEQ), 0, MAX_LEN, dtype=jnp.int64 if jax.config.jax_enable_x64 else jnp.int32)
    pe = _make_pe()
    return {"x": x, "timestamps": timestamps, "pe": pe}

def reference(x, timestamps, pe):
    # clamp timestamps into table range, then gather positional embeddings
    ts = jnp.clip(timestamps, 0, pe.shape[0] - 1)
    out = x + jnp.take(pe, ts, axis=0)
    # dropout p=0.0 -> identity
    return out

if __name__ == "__main__":
    import jax
    _d = setup_inputs()
    print(jax.jit(kernel)(*tuple(_d.values())))

</pallas_src>

<mosaic_0001>
#map = affine_map<(d0, d1) -> (0, 0)>
#map1 = affine_map<(d0, d1) -> (0, 0, 0)>
module attributes {stable_mosaic.version = 14 : i64} {
  func.func @_sc_body(%arg0: i32, %arg1: i32, %arg2: memref<819200x128xf32, #tpu.memory_space<hbm>>, %arg3: memref<6400x128xi32, #tpu.memory_space<hbm>>, %arg4: memref<8x1000x128xf32, #tpu.memory_space<hbm>>, %arg5: memref<819200x128xf32, #tpu.memory_space<hbm>>, %arg6: memref<200x128xi32, #tpu.memory_space<vmem>>, %arg7: memref<3x128x128xf32, #tpu.memory_space<vmem>>, %arg8: memref<3x128x128xf32, #tpu.memory_space<vmem>>, %arg9: memref<3x!tpu.dma_semaphore, #tpu.memory_space<semaphore_mem>>, %arg10: memref<3x!tpu.dma_semaphore, #tpu.memory_space<semaphore_mem>>) attributes {dimension_semantics = [#tpu.dimension_semantics<core_parallel>, #tpu.dimension_semantics<subcore_parallel>], iteration_bounds = array<i64: 2, 16>, scalar_prefetch = 0 : i64, scratch_operands = 5 : i64, tpu.core_type = #tpu.core_type<sc_vector_subcore>, window_params = [{transform_indices = #map}, {transform_indices = #map}, {transform_indices = #map1}, {transform_indices = #map}]} {
    %mul3A = arith.constant 2 : i32
    %mul3A_0 = arith.muli %arg1, %mul3A : i32
    %add3A = arith.addi %mul3A_0, %arg0 : i32
    %mul3A_1 = arith.constant 200 : i32
    %mul3A_2 = arith.muli %add3A, %mul3A_1 : i32
    %mul3A_3 = arith.constant 128 : i32
    %mul3A_4 = arith.muli %mul3A_2, %mul3A_3 : i32
    %rem3A = arith.constant 8 : i32
    %rem3A_5 = arith.remsi %add3A, %rem3A : i32
    "tpu.region"() ({
      %run_scoped3A = tpu.sem_alloc : memref<!tpu.dma_semaphore, #tpu.memory_space<semaphore_mem>>
      %dma_start3A_283 = arith.constant 0 : i32
      %dma_start3A_284 = tpu.memref_slice %arg3[%mul3A_2, %dma_start3A_283] : memref<6400x128xi32, #tpu.memory_space<hbm>> -> memref<200x128xi32, #tpu.memory_space<hbm>>
      %dma_start3A_285 = arith.constant 0 : i32
      %dma_start3A_286 = tpu.memref_slice %arg3[%mul3A_2, %dma_start3A_285] : memref<6400x128xi32, #tpu.memory_space<hbm>> -> memref<200x128xi32, #tpu.memory_space<hbm>>
      tpu.enqueue_dma source(%dma_start3A_286 : memref<200x128xi32, #tpu.memory_space<hbm>>) target(%arg6 : memref<200x128xi32, #tpu.memory_space<vmem>>) target_semaphore(%run_scoped3A : memref<!tpu.dma_semaphore, #tpu.memory_space<semaphore_mem>>)
      %dma_wait3A_287 = arith.constant 0 : i32
      %dma_wait3A_288 = tpu.memref_slice %arg3[%mul3A_2, %dma_wait3A_287] : memref<6400x128xi32, #tpu.memory_space<hbm>> -> memref<200x128xi32, #tpu.memory_space<hbm>>
      %dma_wait3A_289 = arith.constant 0 : i32
      %dma_wait3A_290 = tpu.memref_slice %arg3[%mul3A_2, %dma_wait3A_289] : memref<6400x128xi32, #tpu.memory_space<hbm>> -> memref<200x128xi32, #tpu.memory_space<hbm>>
      tpu.wait_dma2 semaphore(%run_scoped3A : memref<!tpu.dma_semaphore, #tpu.memory_space<semaphore_mem>>) src(%dma_wait3A_290 : memref<200x128xi32, #tpu.memory_space<hbm>>) dst(%arg6 : memref<200x128xi32, #tpu.memory_space<vmem>>)
      tpu.yield
    }) : () -> ()
    %scan3A = arith.constant 0 : i32
    %scan3A_6 = arith.constant 0 : i32
    %scan3A_7 = arith.constant 200 : i32
    %scan3A_8 = arith.addi %scan3A_6, %scan3A_7 : i32
    %scan3A_9 = arith.constant 1 : i32
    scf.for %scan3A_283 = %scan3A_6 to %scan3A_8 step %scan3A_9  : i32 {
      %get3A = arith.index_cast %scan3A_283 : i32 to index
      %get3A_284 = arith.constant 0 : index
      %get3A_285 = tpu.vector_load %arg6[%get3A, %get3A_284] {strides = array<i32>} : memref<200x128xi32, #tpu.memory_space<vmem>>, vector<1x16xi32>,
      %get3A_286 = vector.shape_cast %get3A_285 : vector<1x16xi32> to vector<16xi32>
      %max3A = arith.constant 0 : i32
      %max3A_287 = vector.broadcast %max3A : i32 to vector<16xi32>
      %max3A_288 = arith.maxsi %get3A_286, %max3A_287 : vector<16xi32>
      %min3A = arith.constant 999 : i32
      %min3A_289 = vector.broadcast %min3A : i32 to vector<16xi32>
      %min3A_290 = arith.minsi %max3A_288, %min3A_289 : vector<16xi32>
      %swap3A = arith.index_cast %scan3A_283 : i32 to index
      %swap3A_291 = arith.constant 0 : index
      %swap3A_292 = tpu.vector_load %arg6[%swap3A, %swap3A_291] {strides = array<i32>} : memref<200x128xi32, #tpu.memory_space<vmem>>, vector<1x16xi32>,
      %swap3A_293 = vector.shape_cast %swap3A_292 : vector<1x16xi32> to vector<16xi32>
      %swap3A_294 = vector.shape_cast %min3A_290 : vector<16xi32> to vector<1x16xi32>
      tpu.vector_store %arg6[%swap3A, %swap3A_291], %swap3A_294 {strides = array<i32>} : memref<200x128xi32, #tpu.memory_space<vmem>>, vector<1x16xi32>,
      %get3A_295 = arith.index_cast %scan3A_283 : i32 to index
      %get3A_296 = arith.constant 16 : index
      %get3A_297 = tpu.vector_load %arg6[%get3A_295, %get3A_296] {strides = array<i32>} : memref<200x128xi32, #tpu.memory_space<vmem>>, vector<1x16xi32>,
      %get3A_298 = vector.shape_cast %get3A_297 : vector<1x16xi32> to vector<16xi32>
      %max3A_299 = arith.constant 0 : i32
      %max3A_300 = vector.broadcast %max3A_299 : i32 to vector<16xi32>
      %max3A_301 = arith.maxsi %get3A_298, %max3A_300 : vector<16xi32>
      %min3A_302 = arith.constant 999 : i32
      %min3A_303 = vector.broadcast %min3A_302 : i32 to vector<16xi32>
      %min3A_304 = arith.minsi %max3A_301, %min3A_303 : vector<16xi32>
      %swap3A_305 = arith.index_cast %scan3A_283 : i32 to index
      %swap3A_306 = arith.constant 16 : index
      %swap3A_307 = tpu.vector_load %arg6[%swap3A_305, %swap3A_306] {strides = array<i32>} : memref<200x128xi32, #tpu.memory_space<vmem>>, vector<1x16xi32>,
      %swap3A_308 = vector.shape_cast %swap3A_307 : vector<1x16xi32> to vector<16xi32>
      %swap3A_309 = vector.shape_cast %min3A_304 : vector<16xi32> to vector<1x16xi32>
      tpu.vector_store %arg6[%swap3A_305, %swap3A_306], %swap3A_309 {strides = array<i32>} : memref<200x128xi32, #tpu.memory_space<vmem>>, vector<1x16xi32>,
      %get3A_310 = arith.index_cast %scan3A_283 : i32 to index
      %get3A_311 = arith.constant 32 : index
      %get3A_312 = tpu.vector_load %arg6[%get3A_310, %get3A_311] {strides = array<i32>} : memref<200x128xi32, #tpu.memory_space<vmem>>, vector<1x16xi32>,
      %get3A_313 = vector.shape_cast %get3A_312 : vector<1x16xi32> to vector<16xi32>
      %max3A_314 = arith.constant 0 : i32
      %max3A_315 = vector.broadcast %max3A_314 : i32 to vector<16xi32>
      %max3A_316 = arith.maxsi %get3A_313, %max3A_315 : vector<16xi32>
      %min3A_317 = arith.constant 999 : i32
      %min3A_318 = vector.broadcast %min3A_317 : i32 to vector<16xi32>
      %min3A_319 = arith.minsi %max3A_316, %min3A_318 : vector<16xi32>
      %swap3A_320 = arith.index_cast %scan3A_283 : i32 to index
      %swap3A_321 = arith.constant 32 : index
      %swap3A_322 = tpu.vector_load %arg6[%swap3A_320, %swap3A_321] {strides = array<i32>} : memref<200x128xi32, #tpu.memory_space<vmem>>, vector<1x16xi32>,
      %swap3A_323 = vector.shape_cast %swap3A_322 : vector<1x16xi32> to vector<16xi32>
      %swap3A_324 = vector.shape_cast %min3A_319 : vector<16xi32> to vector<1x16xi32>
      tpu.vector_store %arg6[%swap3A_320, %swap3A_321], %swap3A_324 {strides = array<i32>} : memref<200x128xi32, #tpu.memory_space<vmem>>, vector<1x16xi32>,
      %get3A_325 = arith.index_cast %scan3A_283 : i32 to index
      %get3A_326 = arith.constant 48 : index
      %get3A_327 = tpu.vector_load %arg6[%get3A_325, %get3A_326] {strides = array<i32>} : memref<200x128xi32, #tpu.memory_space<vmem>>, vector<1x16xi32>,
      %get3A_328 = vector.shape_cast %get3A_327 : vector<1x16xi32> to vector<16xi32>
      %max3A_329 = arith.constant 0 : i32
      %max3A_330 = vector.broadcast %max3A_329 : i32 to vector<16xi32>
      %max3A_331 = arith.maxsi %get3A_328, %max3A_330 : vector<16xi32>
      %min3A_332 = arith.constant 999 : i32
      %min3A_333 = vector.broadcast %min3A_332 : i32 to vector<16xi32>
      %min3A_334 = arith.minsi %max3A_331, %min3A_333 : vector<16xi32>
      %swap3A_335 = arith.index_cast %scan3A_283 : i32 to index
      %swap3A_336 = arith.constant 48 : index
      %swap3A_337 = tpu.vector_load %arg6[%swap3A_335, %swap3A_336] {strides = array<i32>} : memref<200x128xi32, #tpu.memory_space<vmem>>, vector<1x16xi32>,
      %swap3A_338 = vector.shape_cast %swap3A_337 : vector<1x16xi32> to vector<16xi32>
      %swap3A_339 = vector.shape_cast %min3A_334 : vector<16xi32> to vector<1x16xi32>
      tpu.vector_store %arg6[%swap3A_335, %swap3A_336], %swap3A_339 {strides = array<i32>} : memref<200x128xi32, #tpu.memory_space<vmem>>, vector<1x16xi32>,
      %get3A_340 = arith.index_cast %scan3A_283 : i32 to index
      %get3A_341 = arith.constant 64 : index
      %get3A_342 = tpu.vector_load %arg6[%get3A_340, %get3A_341] {strides = array<i32>} : memref<200x128xi32, #tpu.memory_space<vmem>>, vector<1x16xi32>,
      %get3A_343 = vector.shape_cast %get3A_342 : vector<1x16xi32> to vector<16xi32>
      %max3A_344 = arith.constant 0 : i32
      %max3A_345 = vector.broadcast %max3A_344 : i32 to vector<16xi32>
      %max3A_346 = arith.maxsi %get3A_343, %max3A_345 : vector<16xi32>
      %min3A_347 = arith.constant 999 : i32
      %min3A_348 = vector.broadcast %min3A_347 : i32 to vector<16xi32>
      %min3A_349 = arith.minsi %max3A_346, %min3A_348 : vector<16xi32>
      %swap3A_350 = arith.index_cast %scan3A_283 : i32 to index
      %swap3A_351 = arith.constant 64 : index
      %swap3A_352 = tpu.vector_load %arg6[%swap3A_350, %swap3A_351] {strides = array<i32>} : memref<200x128xi32, #tpu.memory_space<vmem>>, vector<1x16xi32>,
      %swap3A_353 = vector.shape_cast %swap3A_352 : vector<1x16xi32> to vector<16xi32>
      %swap3A_354 = vector.shape_cast %min3A_349 : vector<16xi32> to vector<1x16xi32>
      tpu.vector_store %arg6[%swap3A_350, %swap3A_351], %swap3A_354 {strides = array<i32>} : memref<200x128xi32, #tpu.memory_space<vmem>>, vector<1x16xi32>,
      %get3A_355 = arith.index_cast %scan3A_283 : i32 to index
      %get3A_356 = arith.constant 80 : index
      %get3A_357 = tpu.vector_load %arg6[%get3A_355, %get3A_356] {strides = array<i32>} : memref<200x128xi32, #tpu.memory_space<vmem>>, vector<1x16xi32>,
      %get3A_358 = vector.shape_cast %get3A_357 : vector<1x16xi32> to vector<16xi32>
      %max3A_359 = arith.constant 0 : i32
      %max3A_360 = vector.broadcast %max3A_359 : i32 to vector<16xi32>
      %max3A_361 = arith.maxsi %get3A_358, %max3A_360 : vector<16xi32>
      %min3A_362 = arith.constant 999 : i32
      %min3A_363 = vector.broadcast %min3A_362 : i32 to vector<16xi32>
      %min3A_364 = arith.minsi %max3A_361, %min3A_363 : vector<16xi32>
      %swap3A_365 = arith.index_cast %scan3A_283 : i32 to index
      %swap3A_366 = arith.constant 80 : index
      %swap3A_367 = tpu.vector_load %arg6[%swap3A_365, %swap3A_366] {strides = array<i32>} : memref<200x128xi32, #tpu.memory_space<vmem>>, vector<1x16xi32>,
      %swap3A_368 = vector.shape_cast %swap3A_367 : vector<1x16xi32> to vector<16xi32>
      %swap3A_369 = vector.shape_cast %min3A_364 : vector<16xi32> to vector<1x16xi32>
      tpu.vector_store %arg6[%swap3A_365, %swap3A_366], %swap3A_369 {strides = array<i32>} : memref<200x128xi32, #tpu.memory_space<vmem>>, vector<1x16xi32>,
      %get3A_370 = arith.index_cast %scan3A_283 : i32 to index
      %get3A_371 = arith.constant 96 : index
      %get3A_372 = tpu.vector_load %arg6[%get3A_370, %get3A_371] {strides = array<i32>} : memref<200x128xi32, #tpu.memory_space<vmem>>, vector<1x16xi32>,
      %get3A_373 = vector.shape_cast %get3A_372 : vector<1x16xi32> to vector<16xi32>
      %max3A_374 = arith.constant 0 : i32
      %max3A_375 = vector.broadcast %max3A_374 : i32 to vector<16xi32>
      %max3A_376 = arith.maxsi %get3A_373, %max3A_375 : vector<16xi32>
      %min3A_377 = arith.constant 999 : i32
      %min3A_378 = vector.broadcast %min3A_377 : i32 to vector<16xi32>
      %min3A_379 = arith.minsi %max3A_376, %min3A_378 : vector<16xi32>
      %swap3A_380 = arith.index_cast %scan3A_283 : i32 to index
      %swap3A_381 = arith.constant 96 : index
      %swap3A_382 = tpu.vector_load %arg6[%swap3A_380, %swap3A_381] {strides = array<i32>} : memref<200x128xi32, #tpu.memory_space<vmem>>, vector<1x16xi32>,
      %swap3A_383 = vector.shape_cast %swap3A_382 : vector<1x16xi32> to vector<16xi32>
      %swap3A_384 = vector.shape_cast %min3A_379 : vector<16xi32> to vector<1x16xi32>
      tpu.vector_store %arg6[%swap3A_380, %swap3A_381], %swap3A_384 {strides = array<i32>} : memref<200x128xi32, #tpu.memory_space<vmem>>, vector<1x16xi32>,
      %get3A_385 = arith.index_cast %scan3A_283 : i32 to index
      %get3A_386 = arith.constant 112 : index
      %get3A_387 = tpu.vector_load %arg6[%get3A_385, %get3A_386] {strides = array<i32>} : memref<200x128xi32, #tpu.memory_space<vmem>>, vector<1x16xi32>,
      %get3A_388 = vector.shape_cast %get3A_387 : vector<1x16xi32> to vector<16xi32>
      %max3A_389 = arith.constant 0 : i32
      %max3A_390 = vector.broadcast %max3A_389 : i32 to vector<16xi32>
      %max3A_391 = arith.maxsi %get3A_388, %max3A_390 : vector<16xi32>
      %min3A_392 = arith.constant 999 : i32
      %min3A_393 = vector.broadcast %min3A_392 : i32 to vector<16xi32>
      %min3A_394 = arith.minsi %max3A_391, %min3A_393 : vector<16xi32>
      %swap3A_395 = arith.index_cast %scan3A_283 : i32 to index
      %swap3A_396 = arith.constant 112 : index
      %swap3A_397 = tpu.vector_load %arg6[%swap3A_395, %swap3A_396] {strides = array<i32>} : memref<200x128xi32, #tpu.memory_space<vmem>>, vector<1x16xi32>,
      %swap3A_398 = vector.shape_cast %swap3A_397 : vector<1x16xi32> to vector<16xi32>
      %swap3A_399 = vector.shape_cast %min3A_394 : vector<16xi32> to vector<1x16xi32>
      tpu.vector_store %arg6[%swap3A_395, %swap3A_396], %swap3A_399 {strides = array<i32>} : memref<200x128xi32, #tpu.memory_space<vmem>>, vector<1x16xi32>,
    }
    %scan3A_10 = arith.constant 200 : i32
    %dma_start3A = arith.constant 0 : i32
    %dma_start3A_11 = arith.constant 0 : i32
    %dma_start3A_12 = arith.constant 0 : i32
    %dma_start3A_13 = arith.constant 0 : i32
    %dma_start3A_14 = arith.constant 0 : i32
    %dma_start3A_15 = tpu.memref_slice %arg8[%dma_start3A_11, %dma_start3A_13, %dma_start3A_14] : memref<3x128x128xf32, #tpu.memory_space<vmem>> -> memref<1x128x128xf32, #tpu.memory_space<vmem>>
    %dma_start3A_16 = tpu.memref_squeeze %dma_start3A_15 : memref<1x128x128xf32, #tpu.memory_space<vmem>> -> memref<128x128xf32, #tpu.memory_space<vmem>>
    %dma_start3A_17 = arith.constant 0 : i32
    %dma_start3A_18 = tpu.memref_slice %arg6[%dma_start3A, %dma_start3A_17] : memref<200x128xi32, #tpu.memory_space<vmem>> -> memref<1x128xi32, #tpu.memory_space<vmem>>
    %dma_start3A_19 = tpu.memref_squeeze %dma_start3A_18 : memref<1x128xi32, #tpu.memory_space<vmem>> -> memref<128xi32, #tpu.memory_space<vmem>>
    %dma_start3A_20 = arith.constant 0 : i32
    %dma_start3A_21 = arith.constant 0 : i32
    %dma_start3A_22 = tpu.memref_slice %arg4[%rem3A_5, %dma_start3A_20, %dma_start3A_21] : memref<8x1000x128xf32, #tpu.memory_space<hbm>> -> memref<1x1000x128xf32, #tpu.memory_space<hbm>>
    %dma_start3A_23 = tpu.memref_squeeze %dma_start3A_22 : memref<1x1000x128xf32, #tpu.memory_space<hbm>> -> memref<1000x128xf32, #tpu.memory_space<hbm>>
    %dma_start3A_24 = arith.constant 0 : i32
    %dma_start3A_25 = arith.constant 0 : i32
    %dma_start3A_26 = tpu.memref_slice %dma_start3A_23[%dma_start3A_24, %dma_start3A_25] : memref<1000x128xf32, #tpu.memory_space<hbm>> -> memref<1000x128xf32, #tpu.memory_space<hbm>>
    %dma_start3A_27 = tpu.memref_slice %arg9[%dma_start3A_12] : memref<3x!tpu.dma_semaphore, #tpu.memory_space<semaphore_mem>> -> memref<1x!tpu.dma_semaphore, #tpu.memory_space<semaphore_mem>>
    %dma_start3A_28 = tpu.memref_squeeze %dma_start3A_27 : memref<1x!tpu.dma_semaphore, #tpu.memory_space<semaphore_mem>> -> memref<!tpu.dma_semaphore, #tpu.memory_space<semaphore_mem>>
    tpu.enqueue_indirect_dma source(%dma_start3A_26 : memref<1000x128xf32, #tpu.memory_space<hbm>>) target(%dma_start3A_16 : memref<128x128xf32, #tpu.memory_space<vmem>>) offsets(%dma_start3A_19 : memref<128xi32, #tpu.memory_space<vmem>>) semaphore(%dma_start3A_28 : memref<!tpu.dma_semaphore, #tpu.memory_space<semaphore_mem>>)
    %add3A_29 = arith.constant 0 : i32
    %add3A_30 = arith.addi %mul3A_4, %add3A_29 : i32
    %dma_start3A_31 = arith.constant 0 : i32
    %dma_start3A_32 = arith.constant 0 : i32
    %dma_start3A_33 = arith.constant 0 : i32
    %dma_start3A_34 = arith.constant 0 : i32
    %dma_start3A_35 = tpu.memref_slice %arg7[%dma_start3A_31, %dma_start3A_33, %dma_start3A_34] : memref<3x128x128xf32, #tpu.memory_space<vmem>> -> memref<1x128x128xf32, #tpu.memory_space<vmem>>
    %dma_start3A_36 = tpu.memref_squeeze %dma_start3A_35 : memref<1x128x128xf32, #tpu.memory_space<vmem>> -> memref<128x128xf32, #tpu.memory_space<vmem>>
    %dma_start3A_37 = arith.constant 0 : i32
    %dma_start3A_38 = tpu.memref_slice %arg2[%add3A_30, %dma_start3A_37] : memref<819200x128xf32, #tpu.memory_space<hbm>> -> memref<128x128xf32, #tpu.memory_space<hbm>>
    %dma_start3A_39 = tpu.memref_slice %arg9[%dma_start3A_32] : memref<3x!tpu.dma_semaphore, #tpu.memory_space<semaphore_mem>> -> memref<1x!tpu.dma_semaphore, #tpu.memory_space<semaphore_mem>>
    %dma_start3A_40 = tpu.memref_squeeze %dma_start3A_39 : memref<1x!tpu.dma_semaphore, #tpu.memory_space<semaphore_mem>> -> memref<!tpu.dma_semaphore, #tpu.memory_space<semaphore_mem>>
    %dma_start3A_41 = arith.constant 0 : i32
    %dma_start3A_42 = arith.constant 0 : i32
    %dma_start3A_43 = tpu.memref_slice %arg7[%dma_start3A_31, %dma_start3A_41, %dma_start3A_42] : memref<3x128x128xf32, #tpu.memory_space<vmem>> -> memref<1x128x128xf32, #tpu.memory_space<vmem>>
    %dma_start3A_44 = tpu.memref_squeeze %dma_start3A_43 : memref<1x128x128xf32, #tpu.memory_space<vmem>> -> memref<128x128xf32, #tpu.memory_space<vmem>>
    %dma_start3A_45 = arith.constant 0 : i32
    %dma_start3A_46 = tpu.memref_slice %arg2[%add3A_30, %dma_start3A_45] : memref<819200x128xf32, #tpu.memory_space<hbm>> -> memref<128x128xf32, #tpu.memory_space<hbm>>
    tpu.enqueue_dma source(%dma_start3A_46 : memref<128x128xf32, #tpu.memory_space<hbm>>) target(%dma_start3A_44 : memref<128x128xf32, #tpu.memory_space<vmem>>) target_semaphore(%dma_start3A_40 : memref<!tpu.dma_semaphore, #tpu.memory_space<semaphore_mem>>)
    %scan3A_47 = arith.constant 0 : i32
    %scan3A_48 = arith.constant 0 : i32
    %scan3A_49 = arith.constant 66 : i32
    %scan3A_50 = arith.addi %scan3A_48, %scan3A_49 : i32
    %scan3A_51 = arith.constant 1 : i32
    scf.for %scan3A_283 = %scan3A_48 to %scan3A_50 step %scan3A_51  : i32 {
      %mul3A_284 = arith.constant 3 : i32
      %mul3A_285 = arith.muli %scan3A_283, %mul3A_284 : i32
      %add3A_286 = arith.constant 0 : i32
      %add3A_287 = arith.addi %mul3A_285, %add3A_286 : i32
      %add3A_288 = arith.constant 1 : i32
      %add3A_289 = arith.addi %add3A_287, %add3A_288 : i32
      %lt3A = arith.constant 200 : i32
      %lt3A_290 = arith.cmpi slt, %add3A_289, %lt3A : i32
      %convert_element_type3A = arith.extui %lt3A_290 : i1 to i32
      %cond3A = arith.constant 0 : i32
      %cond3A_291 = arith.cmpi ne, %convert_element_type3A, %cond3A : i32
      scf.if %cond3A_291 {
        %add3A_500 = arith.constant 1 : i32
        %add3A_501 = arith.addi %add3A_287, %add3A_500 : i32
        %ge3A = arith.constant 3 : i32
        %ge3A_502 = arith.cmpi sge, %add3A_501, %ge3A : i32
        %convert_element_type3A_503 = arith.extui %ge3A_502 : i1 to i32
        %cond3A_504 = arith.constant 0 : i32
        %cond3A_505 = arith.cmpi ne, %convert_element_type3A_503, %cond3A_504 : i32
        scf.if %cond3A_505 {
          %add3A_545 = arith.constant 1 : i32
          %add3A_546 = arith.addi %add3A_287, %add3A_545 : i32
          %sub3A = arith.constant 3 : i32
          %sub3A_547 = arith.subi %add3A_546, %sub3A : i32
          %mul3A_548 = arith.constant 128 : i32
          %mul3A_549 = arith.muli %sub3A_547, %mul3A_548 : i32
          %add3A_550 = arith.addi %mul3A_4, %mul3A_549 : i32
          %dma_wait3A_551 = arith.constant 1 : i32
          %dma_wait3A_552 = arith.constant 1 : i32
          %dma_wait3A_553 = arith.constant 0 : i32
          %dma_wait3A_554 = arith.constant 0 : i32
          %dma_wait3A_555 = tpu.memref_slice %arg7[%dma_wait3A_551, %dma_wait3A_553, %dma_wait3A_554] : memref<3x128x128xf32, #tpu.memory_space<vmem>> -> memref<1x128x128xf32, #tpu.memory_space<vmem>>
          %dma_wait3A_556 = tpu.memref_squeeze %dma_wait3A_555 : memref<1x128x128xf32, #tpu.memory_space<vmem>> -> memref<128x128xf32, #tpu.memory_space<vmem>>
          %dma_wait3A_557 = arith.constant 0 : i32
          %dma_wait3A_558 = tpu.memref_slice %arg5[%add3A_550, %dma_wait3A_557] : memref<819200x128xf32, #tpu.memory_space<hbm>> -> memref<128x128xf32, #tpu.memory_space<hbm>>
          %dma_wait3A_559 = tpu.memref_slice %arg10[%dma_wait3A_552] : memref<3x!tpu.dma_semaphore, #tpu.memory_space<semaphore_mem>> -> memref<1x!tpu.dma_semaphore, #tpu.memory_space<semaphore_mem>>
          %dma_wait3A_560 = tpu.memref_squeeze %dma_wait3A_559 : memref<1x!tpu.dma_semaphore, #tpu.memory_space<semaphore_mem>> -> memref<!tpu.dma_semaphore, #tpu.memory_space<semaphore_mem>>
          %dma_wait3A_561 = arith.constant 0 : i32
          %dma_wait3A_562 = tpu.memref_slice %arg5[%add3A_550, %dma_wait3A_561] : memref<819200x128xf32, #tpu.memory_space<hbm>> -> memref<128x128xf32, #tpu.memory_space<hbm>>
          %dma_wait3A_563 = arith.constant 0 : i32
          %dma_wait3A_564 = arith.constant 0 : i32
          %dma_wait3A_565 = tpu.memref_slice %arg7[%dma_wait3A_551, %dma_wait3A_563, %dma_wait3A_564] : memref<3x128x128xf32, #tpu.memory_space<vmem>> -> memref<1x128x128xf32, #tpu.memory_space<vmem>>
          %dma_wait3A_566 = tpu.memref_squeeze %dma_wait3A_565 : memref<1x128x128xf32, #tpu.memory_space<vmem>> -> memref<128x128xf32, #tpu.memory_space<vmem>>
          tpu.wait_dma2 semaphore(%dma_wait3A_560 : memref<!tpu.dma_semaphore, #tpu.memory_space<semaphore_mem>>) src(%dma_wait3A_566 : memref<128x128xf32, #tpu.memory_space<vmem>>) dst(%dma_wait3A_562 : memref<128x128xf32, #tpu.memory_space<hbm>>)
        } else {
        }
        %add3A_506 = arith.constant 1 : i32
        %add3A_507 = arith.addi %add3A_287, %add3A_506 : i32
        %dma_start3A_508 = arith.constant 1 : i32
        %dma_start3A_509 = arith.constant 1 : i32
        %dma_start3A_510 = arith.constant 0 : i32
        %dma_start3A_511 = arith.constant 0 : i32
        %dma_start3A_512 = tpu.memref_slice %arg8[%dma_start3A_508, %dma_start3A_510, %dma_start3A_511] : memref<3x128x128xf32, #tpu.memory_space<vmem>> -> memref<1x128x128xf32, #tpu.memory_space<vmem>>
        %dma_start3A_513 = tpu.memref_squeeze %dma_start3A_512 : memref<1x128x128xf32, #tpu.memory_space<vmem>> -> memref<128x128xf32, #tpu.memory_space<vmem>>
        %dma_start3A_514 = arith.constant 0 : i32
        %dma_start3A_515 = tpu.memref_slice %arg6[%add3A_507, %dma_start3A_514] : memref<200x128xi32, #tpu.memory_space<vmem>> -> memref<1x128xi32, #tpu.memory_space<vmem>>
        %dma_start3A_516 = tpu.memref_squeeze %dma_start3A_515 : memref<1x128xi32, #tpu.memory_space<vmem>> -> memref<128xi32, #tpu.memory_space<vmem>>
        %dma_start3A_517 = arith.constant 0 : i32
        %dma_start3A_518 = arith.constant 0 : i32
        %dma_start3A_519 = tpu.memref_slice %arg4[%rem3A_5, %dma_start3A_517, %dma_start3A_518] : memref<8x1000x128xf32, #tpu.memory_space<hbm>> -> memref<1x1000x128xf32, #tpu.memory_space<hbm>>
        %dma_start3A_520 = tpu.memref_squeeze %dma_start3A_519 : memref<1x1000x128xf32, #tpu.memory_space<hbm>> -> memref<1000x128xf32, #tpu.memory_space<hbm>>
        %dma_start3A_521 = arith.constant 0 : i32
        %dma_start3A_522 = arith.constant 0 : i32
        %dma_start3A_523 = tpu.memref_slice %dma_start3A_520[%dma_start3A_521, %dma_start3A_522] : memref<1000x128xf32, #tpu.memory_space<hbm>> -> memref<1000x128xf32, #tpu.memory_space<hbm>>
        %dma_start3A_524 = tpu.memref_slice %arg9[%dma_start3A_509] : memref<3x!tpu.dma_semaphore, #tpu.memory_space<semaphore_mem>> -> memref<1x!tpu.dma_semaphore, #tpu.memory_space<semaphore_mem>>
        %dma_start3A_525 = tpu.memref_squeeze %dma_start3A_524 : memref<1x!tpu.dma_semaphore, #tpu.memory_space<semaphore_mem>> -> memref<!tpu.dma_semaphore, #tpu.memory_space<semaphore_mem>>
        tpu.enqueue_indirect_dma source(%dma_start3A_523 : memref<1000x128xf32, #tpu.memory_space<hbm>>) target(%dma_start3A_513 : memref<128x128xf32, #tpu.memory_space<vmem>>) offsets(%dma_start3A_516 : memref<128xi32, #tpu.memory_space<vmem>>) semaphore(%dma_start3A_525 : memref<!tpu.dma_semaphore, #tpu.memory_space<semaphore_mem>>)
        %mul3A_526 = arith.constant 128 : i32
        %mul3A_527 = arith.muli %add3A_507, %mul3A_526 : i32
        %add3A_528 = arith.addi %mul3A_4, %mul3A_527 : i32
        %dma_start3A_529 = arith.constant 1 : i32
        %dma_start3A_530 = arith.constant 1 : i32
        %dma_start3A_531 = arith.constant 0 : i32
        %dma_start3A_532 = arith.constant 0 : i32
        %dma_start3A_533 = tpu.memref_slice %arg7[%dma_start3A_529, %dma_start3A_531, %dma_start3A_532] : memref<3x128x128xf32, #tpu.memory_space<vmem>> -> memref<1x128x128xf32, #tpu.memory_space<vmem>>
        %dma_start3A_534 = tpu.memref_squeeze %dma_start3A_533 : memref<1x128x128xf32, #tpu.memory_space<vmem>> -> memref<128x128xf32, #tpu.memory_space<vmem>>
        %dma_start3A_535 = arith.constant 0 : i32
        %dma_start3A_536 = tpu.memref_slice %arg2[%add3A_528, %dma_start3A_535] : memref<819200x128xf32, #tpu.memory_space<hbm>> -> memref<128x128xf32, #tpu.memory_space<hbm>>
        %dma_start3A_537 = tpu.memref_slice %arg9[%dma_start3A_530] : memref<3x!tpu.dma_semaphore, #tpu.memory_space<semaphore_mem>> -> memref<1x!tpu.dma_semaphore, #tpu.memory_space<semaphore_mem>>
        %dma_start3A_538 = tpu.memref_squeeze %dma_start3A_537 : memref<1x!tpu.dma_semaphore, #tpu.memory_space<semaphore_mem>> -> memref<!tpu.dma_semaphore, #tpu.memory_space<semaphore_mem>>
        %dma_start3A_539 = arith.constant 0 : i32
        %dma_start3A_540 = arith.constant 0 : i32
        %dma_start3A_541 = tpu.memref_slice %arg7[%dma_start3A_529, %dma_start3A_539, %dma_start3A_540] : memref<3x128x128xf32, #tpu.memory_space<vmem>> -> memref<1x128x128xf32, #tpu.memory_space<vmem>>
        %dma_start3A_542 = tpu.memref_squeeze %dma_start3A_541 : memref<1x128x128xf32, #tpu.memory_space<vmem>> -> memref<128x128xf32, #tpu.memory_space<vmem>>
        %dma_start3A_543 = arith.constant 0 : i32
        %dma_start3A_544 = tpu.memref_slice %arg2[%add3A_528, %dma_start3A_543] : memref<819200x128xf32, #tpu.memory_space<hbm>> -> memref<128x128xf32, #tpu.memory_space<hbm>>
        tpu.enqueue_dma source(%dma_start3A_544 : memref<128x128xf32, #tpu.memory_space<hbm>>) target(%dma_start3A_542 : memref<128x128xf32, #tpu.memory_space<vmem>>) target_semaphore(%dma_start3A_538 : memref<!tpu.dma_semaphore, #tpu.memory_space<semaphore_mem>>)
      } else {
      }
      %dma_wait3A_292 = arith.constant 0 : i32
      %dma_wait3A_293 = arith.constant 0 : i32
      %dma_wait3A_294 = arith.constant 0 : i32
      %dma_wait3A_295 = arith.constant 0 : i32
      %dma_wait3A_296 = tpu.memref_slice %arg8[%dma_wait3A_292, %dma_wait3A_294, %dma_wait3A_295] : memref<3x128x128xf32, #tpu.memory_space<vmem>> -> memref<1x128x128xf32, #tpu.memory_space<vmem>>
      %dma_wait3A_297 = tpu.memref_squeeze %dma_wait3A_296 : memref<1x128x128xf32, #tpu.memory_space<vmem>> -> memref<128x128xf32, #tpu.memory_space<vmem>>
      %dma_wait3A_298 = arith.constant 0 : i32
      %dma_wait3A_299 = tpu.memref_slice %arg6[%add3A_287, %dma_wait3A_298] : memref<200x128xi32, #tpu.memory_space<vmem>> -> memref<1x128xi32, #tpu.memory_space<vmem>>
      %dma_wait3A_300 = tpu.memref_squeeze %dma_wait3A_299 : memref<1x128xi32, #tpu.memory_space<vmem>> -> memref<128xi32, #tpu.memory_space<vmem>>
      %dma_wait3A_301 = arith.constant 0 : i32
      %dma_wait3A_302 = arith.constant 0 : i32
      %dma_wait3A_303 = tpu.memref_slice %arg4[%rem3A_5, %dma_wait3A_301, %dma_wait3A_302] : memref<8x1000x128xf32, #tpu.memory_space<hbm>> -> memref<1x1000x128xf32, #tpu.memory_space<hbm>>
      %dma_wait3A_304 = tpu.memref_squeeze %dma_wait3A_303 : memref<1x1000x128xf32, #tpu.memory_space<hbm>> -> memref<1000x128xf32, #tpu.memory_space<hbm>>
      %dma_wait3A_305 = arith.constant 0 : i32
      %dma_wait3A_306 = arith.constant 0 : i32
      %dma_wait3A_307 = tpu.memref_slice %dma_wait3A_304[%dma_wait3A_305, %dma_wait3A_306] : memref<1000x128xf32, #tpu.memory_space<hbm>> -> memref<1000x128xf32, #tpu.memory_space<hbm>>
      %dma_wait3A_308 = tpu.memref_slice %arg9[%dma_wait3A_293] : memref<3x!tpu.dma_semaphore, #tpu.memory_space<semaphore_mem>> -> memref<1x!tpu.dma_semaphore, #tpu.memory_space<semaphore_mem>>
      %dma_wait3A_309 = tpu.memref_squeeze %dma_wait3A_308 : memref<1x!tpu.dma_semaphore, #tpu.memory_space<semaphore_mem>> -> memref<!tpu.dma_semaphore, #tpu.memory_space<semaphore_mem>>
      tpu.wait_indirect_dma semaphore(%dma_wait3A_309 : memref<!tpu.dma_semaphore, #tpu.memory_space<semaphore_mem>>) src(%dma_wait3A_307 : memref<1000x128xf32, #tpu.memory_space<hbm>>) dst(%dma_wait3A_297 : memref<128x128xf32, #tpu.memory_space<vmem>>)
      %mul3A_310 = arith.constant 128 : i32
      %mul3A_311 = arith.muli %add3A_287, %mul3A_310 : i32
      %add3A_312 = arith.addi %mul3A_4, %mul3A_311 : i32
      %dma_wait3A_313 = arith.constant 0 : i32
      %dma_wait3A_314 = arith.constant 0 : i32
      %dma_wait3A_315 = arith.constant 0 : i32
      %dma_wait3A_316 = arith.constant 0 : i32
      %dma_wait3A_317 = tpu.memref_slice %arg7[%dma_wait3A_313, %dma_wait3A_315, %dma_wait3A_316] : memref<3x128x128xf32, #tpu.memory_space<vmem>> -> memref<1x128x128xf32, #tpu.memory_space<vmem>>
      %dma_wait3A_318 = tpu.memref_squeeze %dma_wait3A_317 : memref<1x128x128xf32, #tpu.memory_space<vmem>> -> memref<128x128xf32, #tpu.memory_space<vmem>>
      %dma_wait3A_319 = arith.constant 0 : i32
      %dma_wait3A_320 = tpu.memref_slice %arg2[%add3A_312, %dma_wait3A_319] : memref<819200x128xf32, #tpu.memory_space<hbm>> -> memref<128x128xf32, #tpu.memory_space<hbm>>
      %dma_wait3A_321 = tpu.memref_slice %arg9[%dma_wait3A_314] : memref<3x!tpu.dma_semaphore, #tpu.memory_space<semaphore_mem>> -> memref<1x!tpu.dma_semaphore, #tpu.memory_space<semaphore_mem>>
      %dma_wait3A_322 = tpu.memref_squeeze %dma_wait3A_321 : memref<1x!tpu.dma_semaphore, #tpu.memory_space<semaphore_mem>> -> memref<!tpu.dma_semaphore, #tpu.memory_space<semaphore_mem>>
      %dma_wait3A_323 = arith.constant 0 : i32
      %dma_wait3A_324 = arith.constant 0 : i32
      %dma_wait3A_325 = tpu.memref_slice %arg7[%dma_wait3A_313, %dma_wait3A_323, %dma_wait3A_324] : memref<3x128x128xf32, #tpu.memory_space<vmem>> -> memref<1x128x128xf32, #tpu.memory_space<vmem>>
      %dma_wait3A_326 = tpu.memref_squeeze %dma_wait3A_325 : memref<1x128x128xf32, #tpu.memory_space<vmem>> -> memref<128x128xf32, #tpu.memory_space<vmem>>
      %dma_wait3A_327 = arith.constant 0 : i32
      %dma_wait3A_328 = tpu.memref_slice %arg2[%add3A_312, %dma_wait3A_327] : memref<819200x128xf32, #tpu.memory_space<hbm>> -> memref<128x128xf32, #tpu.memory_space<hbm>>
      tpu.wait_dma2 semaphore(%dma_wait3A_322 : memref<!tpu.dma_semaphore, #tpu.memory_space<semaphore_mem>>) src(%dma_wait3A_328 : memref<128x128xf32, #tpu.memory_space<hbm>>) dst(%dma_wait3A_326 : memref<128x128xf32, #tpu.memory_space<vmem>>)
      %scan3A_329 = arith.constant 0 : i32
      %scan3A_330 = arith.constant 0 : i32
      %scan3A_331 = arith.constant 128 : i32
      %scan3A_332 = arith.addi %scan3A_330, %scan3A_331 : i32
      %scan3A_333 = arith.constant 1 : i32
      scf.for %scan3A_500 = %scan3A_330 to %scan3A_332 step %scan3A_333  : i32 {
        %get3A = arith.constant 0 : i32
        %get3A_501 = arith.index_cast %get3A : i32 to index
        %get3A_502 = arith.index_cast %scan3A_500 : i32 to index
        %get3A_503 = arith.constant 0 : index
        %get3A_504 = tpu.vector_load %arg7[%get3A_501, %get3A_502, %get3A_503] {strides = array<i32>} : memref<3x128x128xf32, #tpu.memory_space<vmem>>, vector<1x1x16xf32>,
        %get3A_505 = vector.shape_cast %get3A_504 : vector<1x1x16xf32> to vector<16xf32>
        %get3A_506 = arith.constant 0 : i32
        %get3A_507 = arith.index_cast %get3A_506 : i32 to index
        %get3A_508 = arith.index_cast %scan3A_500 : i32 to index
        %get3A_509 = arith.constant 0 : index
        %get3A_510 = tpu.vector_load %arg8[%get3A_507, %get3A_508, %get3A_509] {strides = array<i32>} : memref<3x128x128xf32, #tpu.memory_space<vmem>>, vector<1x1x16xf32>,
        %get3A_511 = vector.shape_cast %get3A_510 : vector<1x1x16xf32> to vector<16xf32>
        %add3A_512 = arith.addf %get3A_505, %get3A_511 : vector<16xf32>
        %swap3A = arith.constant 0 : i32
        %swap3A_513 = arith.index_cast %swap3A : i32 to index
        %swap3A_514 = arith.index_cast %scan3A_500 : i32 to index
        %swap3A_515 = arith.constant 0 : index
        %swap3A_516 = tpu.vector_load %arg7[%swap3A_513, %swap3A_514, %swap3A_515] {strides = array<i32>} : memref<3x128x128xf32, #tpu.memory_space<vmem>>, vector<1x1x16xf32>,
        %swap3A_517 = vector.shape_cast %swap3A_516 : vector<1x1x16xf32> to vector<16xf32>
        %swap3A_518 = vector.shape_cast %add3A_512 : vector<16xf32> to vector<1x1x16xf32>
        tpu.vector_store %arg7[%swap3A_513, %swap3A_514, %swap3A_515], %swap3A_518 {strides = array<i32>} : memref<3x128x128xf32, #tpu.memory_space<vmem>>, vector<1x1x16xf32>,
        %get3A_519 = arith.constant 0 : i32
        %get3A_520 = arith.index_cast %get3A_519 : i32 to index
        %get3A_521 = arith.index_cast %scan3A_500 : i32 to index
        %get3A_522 = arith.constant 16 : index
        %get3A_523 = tpu.vector_load %arg7[%get3A_520, %get3A_521, %get3A_522] {strides = array<i32>} : memref<3x128x128xf32, #tpu.memory_space<vmem>>, vector<1x1x16xf32>,
        %get3A_524 = vector.shape_cast %get3A_523 : vector<1x1x16xf32> to vector<16xf32>
        %get3A_525 = arith.constant 0 : i32
        %get3A_526 = arith.index_cast %get3A_525 : i32 to index
        %get3A_527 = arith.index_cast %scan3A_500 : i32 to index
        %get3A_528 = arith.constant 16 : index
        %get3A_529 = tpu.vector_load %arg8[%get3A_526, %get3A_527, %get3A_528] {strides = array<i32>} : memref<3x128x128xf32, #tpu.memory_space<vmem>>, vector<1x1x16xf32>,
        %get3A_530 = vector.shape_cast %get3A_529 : vector<1x1x16xf32> to vector<16xf32>
        %add3A_531 = arith.addf %get3A_524, %get3A_530 : vector<16xf32>
        %swap3A_532 = arith.constant 0 : i32
        %swap3A_533 = arith.index_cast %swap3A_532 : i32 to index
        %swap3A_534 = arith.index_cast %scan3A_500 : i32 to index
        %swap3A_535 = arith.constant 16 : index
        %swap3A_536 = tpu.vector_load %arg7[%swap3A_533, %swap3A_534, %swap3A_535] {strides = array<i32>} : memref<3x128x128xf32, #tpu.memory_space<vmem>>, vector<1x1x16xf32>,
        %swap3A_537 = vector.shape_cast %swap3A_536 : vector<1x1x16xf32> to vector<16xf32>
        %swap3A_538 = vector.shape_cast %add3A_531 : vector<16xf32> to vector<1x1x16xf32>
        tpu.vector_store %arg7[%swap3A_533, %swap3A_534, %swap3A_535], %swap3A_538 {strides = array<i32>} : memref<3x128x128xf32, #tpu.memory_space<vmem>>, vector<1x1x16xf32>,
        %get3A_539 = arith.constant 0 : i32
        %get3A_540 = arith.index_cast %get3A_539 : i32 to index
        %get3A_541 = arith.index_cast %scan3A_500 : i32 to index
        %get3A_542 = arith.constant 32 : index
        %get3A_543 = tpu.vector_load %arg7[%get3A_540, %get3A_541, %get3A_542] {strides = array<i32>} : memref<3x128x128xf32, #tpu.memory_space<vmem>>, vector<1x1x16xf32>,
        %get3A_544 = vector.shape_cast %get3A_543 : vector<1x1x16xf32> to vector<16xf32>
        %get3A_545 = arith.constant 0 : i32
        %get3A_546 = arith.index_cast %get3A_545 : i32 to index
        %get3A_547 = arith.index_cast %scan3A_500 : i32 to index
        %get3A_548 = arith.constant 32 : index
        %get3A_549 = tpu.vector_load %arg8[%get3A_546, %get3A_547, %get3A_548] {strides = array<i32>} : memref<3x128x128xf32, #tpu.memory_space<vmem>>, vector<1x1x16xf32>,
        %get3A_550 = vector.shape_cast %get3A_549 : vector<1x1x16xf32> to vector<16xf32>
        %add3A_551 = arith.addf %get3A_544, %get3A_550 : vector<16xf32>
        %swap3A_552 = arith.constant 0 : i32
        %swap3A_553 = arith.index_cast %swap3A_552 : i32 to index
        %swap3A_554 = arith.index_cast %scan3A_500 : i32 to index
        %swap3A_555 = arith.constant 32 : index
        %swap3A_556 = tpu.vector_load %arg7[%swap3A_553, %swap3A_554, %swap3A_555] {strides = array<i32>} : memref<3x128x128xf32, #tpu.memory_space<vmem>>, vector<1x1x16xf32>,
        %swap3A_557 = vector.shape_cast %swap3A_556 : vector<1x1x16xf32> to vector<16xf32>
        %swap3A_558 = vector.shape_cast %add3A_551 : vector<16xf32> to vector<1x1x16xf32>
        tpu.vector_store %arg7[%swap3A_553, %swap3A_554, %swap3A_555], %swap3A_558 {strides = array<i32>} : memref<3x128x128xf32, #tpu.memory_space<vmem>>, vector<1x1x16xf32>,
        %get3A_559 = arith.constant 0 : i32
        %get3A_560 = arith.index_cast %get3A_559 : i32 to index
        %get3A_561 = arith.index_cast %scan3A_500 : i32 to index
        %get3A_562 = arith.constant 48 : index
        %get3A_563 = tpu.vector_load %arg7[%get3A_560, %get3A_561, %get3A_562] {strides = array<i32>} : memref<3x128x128xf32, #tpu.memory_space<vmem>>, vector<1x1x16xf32>,
        %get3A_564 = vector.shape_cast %get3A_563 : vector<1x1x16xf32> to vector<16xf32>
        %get3A_565 = arith.constant 0 : i32
        %get3A_566 = arith.index_cast %get3A_565 : i32 to index
        %get3A_567 = arith.index_cast %scan3A_500 : i32 to index
        %get3A_568 = arith.constant 48 : index
        %get3A_569 = tpu.vector_load %arg8[%get3A_566, %get3A_567, %get3A_568] {strides = array<i32>} : memref<3x128x128xf32, #tpu.memory_space<vmem>>, vector<1x1x16xf32>,
        %get3A_570 = vector.shape_cast %get3A_569 : vector<1x1x16xf32> to vector<16xf32>
        %add3A_571 = arith.addf %get3A_564, %get3A_570 : vector<16xf32>
        %swap3A_572 = arith.constant 0 : i32
        %swap3A_573 = arith.index_cast %swap3A_572 : i32 to index
        %swap3A_574 = arith.index_cast %scan3A_500 : i32 to index
        %swap3A_575 = arith.constant 48 : index
        %swap3A_576 = tpu.vector_load %arg7[%swap3A_573, %swap3A_574, %swap3A_575] {strides = array<i32>} : memref<3x128x128xf32, #tpu.memory_space<vmem>>, vector<1x1x16xf32>,
        %swap3A_577 = vector.shape_cast %swap3A_576 : vector<1x1x16xf32> to vector<16xf32>
        %swap3A_578 = vector.shape_cast %add3A_571 : vector<16xf32> to vector<1x1x16xf32>
        tpu.vector_store %arg7[%swap3A_573, %swap3A_574, %swap3A_575], %swap3A_578 {strides = array<i32>} : memref<3x128x128xf32, #tpu.memory_space<vmem>>, vector<1x1x16xf32>,
        %get3A_579 = arith.constant 0 : i32
        %get3A_580 = arith.index_cast %get3A_579 : i32 to index
        %get3A_581 = arith.index_cast %scan3A_500 : i32 to index
        %get3A_582 = arith.constant 64 : index
        %get3A_583 = tpu.vector_load %arg7[%get3A_580, %get3A_581, %get3A_582] {strides = array<i32>} : memref<3x128x128xf32, #tpu.memory_space<vmem>>, vector<1x1x16xf32>,
        %get3A_584 = vector.shape_cast %get3A_583 : vector<1x1x16xf32> to vector<16xf32>
        %get3A_585 = arith.constant 0 : i32
        %get3A_586 = arith.index_cast %get3A_585 : i32 to index
        %get3A_587 = arith.index_cast %scan3A_500 : i32 to index
        %get3A_588 = arith.constant 64 : index
        %get3A_589 = tpu.vector_load %arg8[%get3A_586, %get3A_587, %get3A_588] {strides = array<i32>} : memref<3x128x128xf32, #tpu.memory_space<vmem>>, vector<1x1x16xf32>,
        %get3A_590 = vector.shape_cast %get3A_589 : vector<1x1x16xf32> to vector<16xf32>
        %add3A_591 = arith.addf %get3A_584, %get3A_590 : vector<16xf32>
        %swap3A_592 = arith.constant 0 : i32
        %swap3A_593 = arith.index_cast %swap3A_592 : i32 to index
        %swap3A_594 = arith.index_cast %scan3A_500 : i32 to index
        %swap3A_595 = arith.constant 64 : index
        %swap3A_596 = tpu.vector_load %arg7[%swap3A_593, %swap3A_594, %swap3A_595] {strides = array<i32>} : memref<3x128x128xf32, #tpu.memory_space<vmem>>, vector<1x1x16xf32>,
        %swap3A_597 = vector.shape_cast %swap3A_596 : vector<1x1x16xf32> to vector<16xf32>
        %swap3A_598 = vector.shape_cast %add3A_591 : vector<16xf32> to vector<1x1x16xf32>
        tpu.vector_store %arg7[%swap3A_593, %swap3A_594, %swap3A_595], %swap3A_598 {strides = array<i32>} : memref<3x128x128xf32, #tpu.memory_space<vmem>>, vector<1x1x16xf32>,
        %get3A_599 = arith.constant 0 : i32
        %get3A_600 = arith.index_cast %get3A_599 : i32 to index
        %get3A_601 = arith.index_cast %scan3A_500 : i32 to index
        %get3A_602 = arith.constant 80 : index
        %get3A_603 = tpu.vector_load %arg7[%get3A_600, %get3A_601, %get3A_602] {strides = array<i32>} : memref<3x128x128xf32, #tpu.memory_space<vmem>>, vector<1x1x16xf32>,
        %get3A_604 = vector.shape_cast %get3A_603 : vector<1x1x16xf32> to vector<16xf32>
        %get3A_605 = arith.constant 0 : i32
        %get3A_606 = arith.index_cast %get3A_605 : i32 to index
        %get3A_607 = arith.index_cast %scan3A_500 : i32 to index
        %get3A_608 = arith.constant 80 : index
        %get3A_609 = tpu.vector_load %arg8[%get3A_606, %get3A_607, %get3A_608] {strides = array<i32>} : memref<3x128x128xf32, #tpu.memory_space<vmem>>, vector<1x1x16xf32>,
        %get3A_610 = vector.shape_cast %get3A_609 : vector<1x1x16xf32> to vector<16xf32>
        %add3A_611 = arith.addf %get3A_604, %get3A_610 : vector<16xf32>
        %swap3A_612 = arith.constant 0 : i32
        %swap3A_613 = arith.index_cast %swap3A_612 : i32 to index
        %swap3A_614 = arith.index_cast %scan3A_500 : i32 to index
        %swap3A_615 = arith.constant 80 : index
        %swap3A_616 = tpu.vector_load %arg7[%swap3A_613, %swap3A_614, %swap3A_615] {strides = array<i32>} : memref<3x128x128xf32, #tpu.memory_space<vmem>>, vector<1x1x16xf32>,
        %swap3A_617 = vector.shape_cast %swap3A_616 : vector<1x1x16xf32> to vector<16xf32>
        %swap3A_618 = vector.shape_cast %add3A_611 : vector<16xf32> to vector<1x1x16xf32>
        tpu.vector_store %arg7[%swap3A_613, %swap3A_614, %swap3A_615], %swap3A_618 {strides = array<i32>} : memref<3x128x128xf32, #tpu.memory_space<vmem>>, vector<1x1x16xf32>,
        %get3A_619 = arith.constant 0 : i32
        %get3A_620 = arith.index_cast %get3A_619 : i32 to index
        %get3A_621 = arith.index_cast %scan3A_500 : i32 to index
        %get3A_622 = arith.constant 96 : index
        %get3A_623 = tpu.vector_load %arg7[%get3A_620, %get3A_621, %get3A_622] {strides = array<i32>} : memref<3x128x128xf32, #tpu.memory_space<vmem>>, vector<1x1x16xf32>,
        %get3A_624 = vector.shape_cast %get3A_623 : vector<1x1x16xf32> to vector<16xf32>
        %get3A_625 = arith.constant 0 : i32
        %get3A_626 = arith.index_cast %get3A_625 : i32 to index
        %get3A_627 = arith.index_cast %scan3A_500 : i32 to index
        %get3A_628 = arith.constant 96 : index
        %get3A_629 = tpu.vector_load %arg8[%get3A_626, %get3A_627, %get3A_628] {strides = array<i32>} : memref<3x128x128xf32, #tpu.memory_space<vmem>>, vector<1x1x16xf32>,
        %get3A_630 = vector.shape_cast %get3A_629 : vector<1x1x16xf32> to vector<16xf32>
        %add3A_631 = arith.addf %get3A_624, %get3A_630 : vector<16xf32>
        %swap3A_632 = arith.constant 0 : i32
        %swap3A_633 = arith.index_cast %swap3A_632 : i32 to index
        %swap3A_634 = arith.index_cast %scan3A_500 : i32 to index
        %swap3A_635 = arith.constant 96 : index
        %swap3A_636 = tpu.vector_load %arg7[%swap3A_633, %swap3A_634, %swap3A_635] {strides = array<i32>} : memref<3x128x128xf32, #tpu.memory_space<vmem>>, vector<1x1x16xf32>,
        %swap3A_637 = vector.shape_cast %swap3A_636 : vector<1x1x16xf32> to vector<16xf32>
        %swap3A_638 = vector.shape_cast %add3A_631 : vector<16xf32> to vector<1x1x16xf32>
        tpu.vector_store %arg7[%swap3A_633, %swap3A_634, %swap3A_635], %swap3A_638 {strides = array<i32>} : memref<3x128x128xf32, #tpu.memory_space<vmem>>, vector<1x1x16xf32>,
        %get3A_639 = arith.constant 0 : i32
        %get3A_640 = arith.index_cast %get3A_639 : i32 to index
        %get3A_641 = arith.index_cast %scan3A_500 : i32 to index
        %get3A_642 = arith.constant 112 : index
        %get3A_643 = tpu.vector_load %arg7[%get3A_640, %get3A_641, %get3A_642] {strides = array<i32>} : memref<3x128x128xf32, #tpu.memory_space<vmem>>, vector<1x1x16xf32>,
        %get3A_644 = vector.shape_cast %get3A_643 : vector<1x1x16xf32> to vector<16xf32>
        %get3A_645 = arith.constant 0 : i32
        %get3A_646 = arith.index_cast %get3A_645 : i32 to index
        %get3A_647 = arith.index_cast %scan3A_500 : i32 to index
        %get3A_648 = arith.constant 112 : index
        %get3A_649 = tpu.vector_load %arg8[%get3A_646, %get3A_647, %get3A_648] {strides = array<i32>} : memref<3x128x128xf32, #tpu.memory_space<vmem>>, vector<1x1x16xf32>,
        %get3A_650 = vector.shape_cast %get3A_649 : vector<1x1x16xf32> to vector<16xf32>
        %add3A_651 = arith.addf %get3A_644, %get3A_650 : vector<16xf32>
        %swap3A_652 = arith.constant 0 : i32
        %swap3A_653 = arith.index_cast %swap3A_652 : i32 to index
        %swap3A_654 = arith.index_cast %scan3A_500 : i32 to index
        %swap3A_655 = arith.constant 112 : index
        %swap3A_656 = tpu.vector_load %arg7[%swap3A_653, %swap3A_654, %swap3A_655] {strides = array<i32>} : memref<3x128x128xf32, #tpu.memory_space<vmem>>, vector<1x1x16xf32>,
        %swap3A_657 = vector.shape_cast %swap3A_656 : vector<1x1x16xf32> to vector<16xf32>
        %swap3A_658 = vector.shape_cast %add3A_651 : vector<16xf32> to vector<1x1x16xf32>
        tpu.vector_store %arg7[%swap3A_653, %swap3A_654, %swap3A_655], %swap3A_658 {strides = array<i32>} : memref<3x128x128xf32, #tpu.memory_space<vmem>>, vector<1x1x16xf32>,
      }
      %scan3A_334 = arith.constant 128 : i32
      %mul3A_335 = arith.constant 128 : i32
      %mul3A_336 = arith.muli %add3A_287, %mul3A_335 : i32
      %add3A_337 = arith.addi %mul3A_4, %mul3A_336 : i32
      %dma_start3A_338 = arith.constant 0 : i32
      %dma_start3A_339 = arith.constant 0 : i32
      %dma_start3A_340 = arith.constant 0 : i32
      %dma_start3A_341 = arith.constant 0 : i32
      %dma_start3A_342 = tpu.memref_slice %arg7[%dma_start3A_338, %dma_start3A_340, %dma_start3A_341] : memref<3x128x128xf32, #tpu.memory_space<vmem>> -> memref<1x128x128xf32, #tpu.memory_space<vmem>>
      %dma_start3A_343 = tpu.memref_squeeze %dma_start3A_342 : memref<1x128x128xf32, #tpu.memory_space<vmem>> -> memref<128x128xf32, #tpu.memory_space<vmem>>
      %dma_start3A_344 = arith.constant 0 : i32
      %dma_start3A_345 = tpu.memref_slice %arg5[%add3A_337, %dma_start3A_344] : memref<819200x128xf32, #tpu.memory_space<hbm>> -> memref<128x128xf32, #tpu.memory_space<hbm>>
      %dma_start3A_346 = tpu.memref_slice %arg10[%dma_start3A_339] : memref<3x!tpu.dma_semaphore, #tpu.memory_space<semaphore_mem>> -> memref<1x!tpu.dma_semaphore, #tpu.memory_space<semaphore_mem>>
      %dma_start3A_347 = tpu.memref_squeeze %dma_start3A_346 : memref<1x!tpu.dma_semaphore, #tpu.memory_space<semaphore_mem>> -> memref<!tpu.dma_semaphore, #tpu.memory_space<semaphore_mem>>
      %dma_start3A_348 = arith.constant 0 : i32
      %dma_start3A_349 = tpu.memref_slice %arg5[%add3A_337, %dma_start3A_348] : memref<819200x128xf32, #tpu.memory_space<hbm>> -> memref<128x128xf32, #tpu.memory_space<hbm>>
      %dma_start3A_350 = arith.constant 0 : i32
      %dma_start3A_351 = arith.constant 0 : i32
      %dma_start3A_352 = tpu.memref_slice %arg7[%dma_start3A_338, %dma_start3A_350, %dma_start3A_351] : memref<3x128x128xf32, #tpu.memory_space<vmem>> -> memref<1x128x128xf32, #tpu.memory_space<vmem>>
      %dma_start3A_353 = tpu.memref_squeeze %dma_start3A_352 : memref<1x128x128xf32, #tpu.memory_space<vmem>> -> memref<128x128xf32, #tpu.memory_space<vmem>>
      tpu.enqueue_dma source(%dma_start3A_353 : memref<128x128xf32, #tpu.memory_space<vmem>>) target(%dma_start3A_349 : memref<128x128xf32, #tpu.memory_space<hbm>>) target_semaphore(%dma_start3A_347 : memref<!tpu.dma_semaphore, #tpu.memory_space<semaphore_mem>>)
      %mul3A_354 = arith.constant 3 : i32
      %mul3A_355 = arith.muli %scan3A_283, %mul3A_354 : i32
      %add3A_356 = arith.constant 1 : i32
      %add3A_357 = arith.addi %mul3A_355, %add3A_356 : i32
      %add3A_358 = arith.constant 1 : i32
      %add3A_359 = arith.addi %add3A_357, %add3A_358 : i32
      %lt3A_360 = arith.constant 200 : i32
      %lt3A_361 = arith.cmpi slt, %add3A_359, %lt3A_360 : i32
      %convert_element_type3A_362 = arith.extui %lt3A_361 : i1 to i32
      %cond3A_363 = arith.constant 0 : i32
      %cond3A_364 = arith.cmpi ne, %convert_element_type3A_362, %cond3A_363 : i32
      scf.if %cond3A_364 {
        %add3A_500 = arith.constant 1 : i32
        %add3A_501 = arith.addi %add3A_357, %add3A_500 : i32
        %ge3A = arith.constant 3 : i32
        %ge3A_502 = arith.cmpi sge, %add3A_501, %ge3A : i32
        %convert_element_type3A_503 = arith.extui %ge3A_502 : i1 to i32
        %cond3A_504 = arith.constant 0 : i32
        %cond3A_505 = arith.cmpi ne, %convert_element_type3A_503, %cond3A_504 : i32
        scf.if %cond3A_505 {
          %add3A_545 = arith.constant 1 : i32
          %add3A_546 = arith.addi %add3A_357, %add3A_545 : i32
          %sub3A = arith.constant 3 : i32
          %sub3A_547 = arith.subi %add3A_546, %sub3A : i32
          %mul3A_548 = arith.constant 128 : i32
          %mul3A_549 = arith.muli %sub3A_547, %mul3A_548 : i32
          %add3A_550 = arith.addi %mul3A_4, %mul3A_549 : i32
          %dma_wait3A_551 = arith.constant 2 : i32
          %dma_wait3A_552 = arith.constant 2 : i32
          %dma_wait3A_553 = arith.constant 0 : i32
          %dma_wait3A_554 = arith.constant 0 : i32
          %dma_wait3A_555 = tpu.memref_slice %arg7[%dma_wait3A_551, %dma_wait3A_553, %dma_wait3A_554] : memref<3x128x128xf32, #tpu.memory_space<vmem>> -> memref<1x128x128xf32, #tpu.memory_space<vmem>>
          %dma_wait3A_556 = tpu.memref_squeeze %dma_wait3A_555 : memref<1x128x128xf32, #tpu.memory_space<vmem>> -> memref<128x128xf32, #tpu.memory_space<vmem>>
          %dma_wait3A_557 = arith.constant 0 : i32
          %dma_wait3A_558 = tpu.memref_slice %arg5[%add3A_550, %dma_wait3A_557] : memref<819200x128xf32, #tpu.memory_space<hbm>> -> memref<128x128xf32, #tpu.memory_space<hbm>>
          %dma_wait3A_559 = tpu.memref_slice %arg10[%dma_wait3A_552] : memref<3x!tpu.dma_semaphore, #tpu.memory_space<semaphore_mem>> -> memref<1x!tpu.dma_semaphore, #tpu.memory_space<semaphore_mem>>
          %dma_wait3A_560 = tpu.memref_squeeze %dma_wait3A_559 : memref<1x!tpu.dma_semaphore, #tpu.memory_space<semaphore_mem>> -> memref<!tpu.dma_semaphore, #tpu.memory_space<semaphore_mem>>
          %dma_wait3A_561 = arith.constant 0 : i32
          %dma_wait3A_562 = tpu.memref_slice %arg5[%add3A_550, %dma_wait3A_561] : memref<819200x128xf32, #tpu.memory_space<hbm>> -> memref<128x128xf32, #tpu.memory_space<hbm>>
          %dma_wait3A_563 = arith.constant 0 : i32
          %dma_wait3A_564 = arith.constant 0 : i32
          %dma_wait3A_565 = tpu.memref_slice %arg7[%dma_wait3A_551, %dma_wait3A_563, %dma_wait3A_564] : memref<3x128x128xf32, #tpu.memory_space<vmem>> -> memref<1x128x128xf32, #tpu.memory_space<vmem>>
          %dma_wait3A_566 = tpu.memref_squeeze %dma_wait3A_565 : memref<1x128x128xf32, #tpu.memory_space<vmem>> -> memref<128x128xf32, #tpu.memory_space<vmem>>
          tpu.wait_dma2 semaphore(%dma_wait3A_560 : memref<!tpu.dma_semaphore, #tpu.memory_space<semaphore_mem>>) src(%dma_wait3A_566 : memref<128x128xf32, #tpu.memory_space<vmem>>) dst(%dma_wait3A_562 : memref<128x128xf32, #tpu.memory_space<hbm>>)
        } else {
        }
        %add3A_506 = arith.constant 1 : i32
        %add3A_507 = arith.addi %add3A_357, %add3A_506 : i32
        %dma_start3A_508 = arith.constant 2 : i32
        %dma_start3A_509 = arith.constant 2 : i32
        %dma_start3A_510 = arith.constant 0 : i32
        %dma_start3A_511 = arith.constant 0 : i32
        %dma_start3A_512 = tpu.memref_slice %arg8[%dma_start3A_508, %dma_start3A_510, %dma_start3A_511] : memref<3x128x128xf32, #tpu.memory_space<vmem>> -> memref<1x128x128xf32, #tpu.memory_space<vmem>>
        %dma_start3A_513 = tpu.memref_squeeze %dma_start3A_512 : memref<1x128x128xf32, #tpu.memory_space<vmem>> -> memref<128x128xf32, #tpu.memory_space<vmem>>
        %dma_start3A_514 = arith.constant 0 : i32
        %dma_start3A_515 = tpu.memref_slice %arg6[%add3A_507, %dma_start3A_514] : memref<200x128xi32, #tpu.memory_space<vmem>> -> memref<1x128xi32, #tpu.memory_space<vmem>>
        %dma_start3A_516 = tpu.memref_squeeze %dma_start3A_515 : memref<1x128xi32, #tpu.memory_space<vmem>> -> memref<128xi32, #tpu.memory_space<vmem>>
        %dma_start3A_517 = arith.constant 0 : i32
        %dma_start3A_518 = arith.constant 0 : i32
        %dma_start3A_519 = tpu.memref_slice %arg4[%rem3A_5, %dma_start3A_517, %dma_start3A_518] : memref<8x1000x128xf32, #tpu.memory_space<hbm>> -> memref<1x1000x128xf32, #tpu.memory_space<hbm>>
        %dma_start3A_520 = tpu.memref_squeeze %dma_start3A_519 : memref<1x1000x128xf32, #tpu.memory_space<hbm>> -> memref<1000x128xf32, #tpu.memory_space<hbm>>
        %dma_start3A_521 = arith.constant 0 : i32
        %dma_start3A_522 = arith.constant 0 : i32
        %dma_start3A_523 = tpu.memref_slice %dma_start3A_520[%dma_start3A_521, %dma_start3A_522] : memref<1000x128xf32, #tpu.memory_space<hbm>> -> memref<1000x128xf32, #tpu.memory_space<hbm>>
        %dma_start3A_524 = tpu.memref_slice %arg9[%dma_start3A_509] : memref<3x!tpu.dma_semaphore, #tpu.memory_space<semaphore_mem>> -> memref<1x!tpu.dma_semaphore, #tpu.memory_space<semaphore_mem>>
        %dma_start3A_525 = tpu.memref_squeeze %dma_start3A_524 : memref<1x!tpu.dma_semaphore, #tpu.memory_space<semaphore_mem>> -> memref<!tpu.dma_semaphore, #tpu.memory_space<semaphore_mem>>
        tpu.enqueue_indirect_dma source(%dma_start3A_523 : memref<1000x128xf32, #tpu.memory_space<hbm>>) target(%dma_start3A_513 : memref<128x128xf32, #tpu.memory_space<vmem>>) offsets(%dma_start3A_516 : memref<128xi32, #tpu.memory_space<vmem>>) semaphore(%dma_start3A_525 : memref<!tpu.dma_semaphore, #tpu.memory_space<semaphore_mem>>)
        %mul3A_526 = arith.constant 128 : i32
        %mul3A_527 = arith.muli %add3A_507, %mul3A_526 : i32
        %add3A_528 = arith.addi %mul3A_4, %mul3A_527 : i32
        %dma_start3A_529 = arith.constant 2 : i32
        %dma_start3A_530 = arith.constant 2 : i32
        %dma_start3A_531 = arith.constant 0 : i32
        %dma_start3A_532 = arith.constant 0 : i32
        %dma_start3A_533 = tpu.memref_slice %arg7[%dma_start3A_529, %dma_start3A_531, %dma_start3A_532] : memref<3x128x128xf32, #tpu.memory_space<vmem>> -> memref<1x128x128xf32, #tpu.memory_space<vmem>>
        %dma_start3A_534 = tpu.memref_squeeze %dma_start3A_533 : memref<1x128x128xf32, #tpu.memory_space<vmem>> -> memref<128x128xf32, #tpu.memory_space<vmem>>
        %dma_start3A_535 = arith.constant 0 : i32
        %dma_start3A_536 = tpu.memref_slice %arg2[%add3A_528, %dma_start3A_535] : memref<819200x128xf32, #tpu.memory_space<hbm>> -> memref<128x128xf32, #tpu.memory_space<hbm>>
        %dma_start3A_537 = tpu.memref_slice %arg9[%dma_start3A_530] : memref<3x!tpu.dma_semaphore, #tpu.memory_space<semaphore_mem>> -> memref<1x!tpu.dma_semaphore, #tpu.memory_space<semaphore_mem>>
        %dma_start3A_538 = tpu.memref_squeeze %dma_start3A_537 : memref<1x!tpu.dma_semaphore, #tpu.memory_space<semaphore_mem>> -> memref<!tpu.dma_semaphore, #tpu.memory_space<semaphore_mem>>
        %dma_start3A_539 = arith.constant 0 : i32
        %dma_start3A_540 = arith.constant 0 : i32
        %dma_start3A_541 = tpu.memref_slice %arg7[%dma_start3A_529, %dma_start3A_539, %dma_start3A_540] : memref<3x128x128xf32, #tpu.memory_space<vmem>> -> memref<1x128x128xf32, #tpu.memory_space<vmem>>
        %dma_start3A_542 = tpu.memref_squeeze %dma_start3A_541 : memref<1x128x128xf32, #tpu.memory_space<vmem>> -> memref<128x128xf32, #tpu.memory_space<vmem>>
        %dma_start3A_543 = arith.constant 0 : i32
        %dma_start3A_544 = tpu.memref_slice %arg2[%add3A_528, %dma_start3A_543] : memref<819200x128xf32, #tpu.memory_space<hbm>> -> memref<128x128xf32, #tpu.memory_space<hbm>>
        tpu.enqueue_dma source(%dma_start3A_544 : memref<128x128xf32, #tpu.memory_space<hbm>>) target(%dma_start3A_542 : memref<128x128xf32, #tpu.memory_space<vmem>>) target_semaphore(%dma_start3A_538 : memref<!tpu.dma_semaphore, #tpu.memory_space<semaphore_mem>>)
      } else {
      }
      %dma_wait3A_365 = arith.constant 1 : i32
      %dma_wait3A_366 = arith.constant 1 : i32
      %dma_wait3A_367 = arith.constant 0 : i32
      %dma_wait3A_368 = arith.constant 0 : i32
      %dma_wait3A_369 = tpu.memref_slice %arg8[%dma_wait3A_365, %dma_wait3A_367, %dma_wait3A_368] : memref<3x128x128xf32, #tpu.memory_space<vmem>> -> memref<1x128x128xf32, #tpu.memory_space<vmem>>
      %dma_wait3A_370 = tpu.memref_squeeze %dma_wait3A_369 : memref<1x128x128xf32, #tpu.memory_space<vmem>> -> memref<128x128xf32, #tpu.memory_space<vmem>>
      %dma_wait3A_371 = arith.constant 0 : i32
      %dma_wait3A_372 = tpu.memref_slice %arg6[%add3A_357, %dma_wait3A_371] : memref<200x128xi32, #tpu.memory_space<vmem>> -> memref<1x128xi32, #tpu.memory_space<vmem>>
      %dma_wait3A_373 = tpu.memref_squeeze %dma_wait3A_372 : memref<1x128xi32, #tpu.memory_space<vmem>> -> memref<128xi32, #tpu.memory_space<vmem>>
      %dma_wait3A_374 = arith.constant 0 : i32
      %dma_wait3A_375 = arith.constant 0 : i32
      %dma_wait3A_376 = tpu.memref_slice %arg4[%rem3A_5, %dma_wait3A_374, %dma_wait3A_375] : memref<8x1000x128xf32, #tpu.memory_space<hbm>> -> memref<1x1000x128xf32, #tpu.memory_space<hbm>>
      %dma_wait3A_377 = tpu.memref_squeeze %dma_wait3A_376 : memref<1x1000x128xf32, #tpu.memory_space<hbm>> -> memref<1000x128xf32, #tpu.memory_space<hbm>>
      %dma_wait3A_378 = arith.constant 0 : i32
      %dma_wait3A_379 = arith.constant 0 : i32
      %dma_wait3A_380 = tpu.memref_slice %dma_wait3A_377[%dma_wait3A_378, %dma_wait3A_379] : memref<1000x128xf32, #tpu.memory_space<hbm>> -> memref<1000x128xf32, #tpu.memory_space<hbm>>
      %dma_wait3A_381 = tpu.memref_slice %arg9[%dma_wait3A_366] : memref<3x!tpu.dma_semaphore, #tpu.memory_space<semaphore_mem>> -> memref<1x!tpu.dma_semaphore, #tpu.memory_space<semaphore_mem>>
      %dma_wait3A_382 = tpu.memref_squeeze %dma_wait3A_381 : memref<1x!tpu.dma_semaphore, #tpu.memory_space<semaphore_mem>> -> memref<!tpu.dma_semaphore, #tpu.memory_space<semaphore_mem>>
      tpu.wait_indirect_dma semaphore(%dma_wait3A_382 : memref<!tpu.dma_semaphore, #tpu.memory_space<semaphore_mem>>) src(%dma_wait3A_380 : memref<1000x128xf32, #tpu.memory_space<hbm>>) dst(%dma_wait3A_370 : memref<128x128xf32, #tpu.memory_space<vmem>>)
      %mul3A_383 = arith.constant 128 : i32
      %mul3A_384 = arith.muli %add3A_357, %mul3A_383 : i32
      %add3A_385 = arith.addi %mul3A_4, %mul3A_384 : i32
      %dma_wait3A_386 = arith.constant 1 : i32
      %dma_wait3A_387 = arith.constant 1 : i32
      %dma_wait3A_388 = arith.constant 0 : i32
      %dma_wait3A_389 = arith.constant 0 : i32
      %dma_wait3A_390 = tpu.memref_slice %arg7[%dma_wait3A_386, %dma_wait3A_388, %dma_wait3A_389] : memref<3x128x128xf32, #tpu.memory_space<vmem>> -> memref<1x128x128xf32, #tpu.memory_space<vmem>>
      %dma_wait3A_391 = tpu.memref_squeeze %dma_wait3A_390 : memref<1x128x128xf32, #tpu.memory_space<vmem>> -> memref<128x128xf32, #tpu.memory_space<vmem>>
      %dma_wait3A_392 = arith.constant 0 : i32
      %dma_wait3A_393 = tpu.memref_slice %arg2[%add3A_385, %dma_wait3A_392] : memref<819200x128xf32, #tpu.memory_space<hbm>> -> memref<128x128xf32, #tpu.memory_space<hbm>>
      %dma_wait3A_394 = tpu.memref_slice %arg9[%dma_wait3A_387] : memref<3x!tpu.dma_semaphore, #tpu.memory_space<semaphore_mem>> -> memref<1x!tpu.dma_semaphore, #tpu.memory_space<semaphore_mem>>
      %dma_wait3A_395 = tpu.memref_squeeze %dma_wait3A_394 : memref<1x!tpu.dma_semaphore, #tpu.memory_space<semaphore_mem>> -> memref<!tpu.dma_semaphore, #tpu.memory_space<semaphore_mem>>
      %dma_wait3A_396 = arith.constant 0 : i32
      %dma_wait3A_397 = arith.constant 0 : i32
      %dma_wait3A_398 = tpu.memref_slice %arg7[%dma_wait3A_386, %dma_wait3A_396, %dma_wait3A_397] : memref<3x128x128xf32, #tpu.memory_space<vmem>> -> memref<1x128x128xf32, #tpu.memory_space<vmem>>
      %dma_wait3A_399 = tpu.memref_squeeze %dma_wait3A_398 : memref<1x128x128xf32, #tpu.memory_space<vmem>> -> memref<128x128xf32, #tpu.memory_space<vmem>>
      %dma_wait3A_400 = arith.constant 0 : i32
      %dma_wait3A_401 = tpu.memref_slice %arg2[%add3A_385, %dma_wait3A_400] : memref<819200x128xf32, #tpu.memory_space<hbm>> -> memref<128x128xf32, #tpu.memory_space<hbm>>
      tpu.wait_dma2 semaphore(%dma_wait3A_395 : memref<!tpu.dma_semaphore, #tpu.memory_space<semaphore_mem>>) src(%dma_wait3A_401 : memref<128x128xf32, #tpu.memory_space<hbm>>) dst(%dma_wait3A_399 : memref<128x128xf32, #tpu.memory_space<vmem>>)
      %scan3A_402 = arith.constant 0 : i32
      %scan3A_403 = arith.constant 0 : i32
      %scan3A_404 = arith.constant 128 : i32
      %scan3A_405 = arith.addi %scan3A_403, %scan3A_404 : i32
      %scan3A_406 = arith.constant 1 : i32
      scf.for %scan3A_500 = %scan3A_403 to %scan3A_405 step %scan3A_406  : i32 {
        %get3A = arith.constant 1 : i32
        %get3A_501 = arith.index_cast %get3A : i32 to index
        %get3A_502 = arith.index_cast %scan3A_500 : i32 to index
        %get3A_503 = arith.constant 0 : index
        %get3A_504 = tpu.vector_load %arg7[%get3A_501, %get3A_502, %get3A_503] {strides = array<i32>} : memref<3x128x128xf32, #tpu.memory_space<vmem>>, vector<1x1x16xf32>,
        %get3A_505 = vector.shape_cast %get3A_504 : vector<1x1x16xf32> to vector<16xf32>
        %get3A_506 = arith.constant 1 : i32
        %get3A_507 = arith.index_cast %get3A_506 : i32 to index
        %get3A_508 = arith.index_cast %scan3A_500 : i32 to index
        %get3A_509 = arith.constant 0 : index
        %get3A_510 = tpu.vector_load %arg8[%get3A_507, %get3A_508, %get3A_509] {strides = array<i32>} : memref<3x128x128xf32, #tpu.memory_space<vmem>>, vector<1x1x16xf32>,
        %get3A_511 = vector.shape_cast %get3A_510 : vector<1x1x16xf32> to vector<16xf32>
        %add3A_512 = arith.addf %get3A_505, %get3A_511 : vector<16xf32>
        %swap3A = arith.constant 1 : i32
        %swap3A_513 = arith.index_cast %swap3A : i32 to index
        %swap3A_514 = arith.index_cast %scan3A_500 : i32 to index
        %swap3A_515 = arith.constant 0 : index
        %swap3A_516 = tpu.vector_load %arg7[%swap3A_513, %swap3A_514, %swap3A_515] {strides = array<i32>} : memref<3x128x128xf32, #tpu.memory_space<vmem>>, vector<1x1x16xf32>,
        %swap3A_517 = vector.shape_cast %swap3A_516 : vector<1x1x16xf32> to vector<16xf32>
        %swap3A_518 = vector.shape_cast %add3A_512 : vector<16xf32> to vector<1x1x16xf32>
        tpu.vector_store %arg7[%swap3A_513, %swap3A_514, %swap3A_515], %swap3A_518 {strides = array<i32>} : memref<3x128x128xf32, #tpu.memory_space<vmem>>, vector<1x1x16xf32>,
        %get3A_519 = arith.constant 1 : i32
        %get3A_520 = arith.index_cast %get3A_519 : i32 to index
        %get3A_521 = arith.index_cast %scan3A_500 : i32 to index
        %get3A_522 = arith.constant 16 : index
        %get3A_523 = tpu.vector_load %arg7[%get3A_520, %get3A_521, %get3A_522] {strides = array<i32>} : memref<3x128x128xf32, #tpu.memory_space<vmem>>, vector<1x1x16xf32>,
        %get3A_524 = vector.shape_cast %get3A_523 : vector<1x1x16xf32> to vector<16xf32>
        %get3A_525 = arith.constant 1 : i32
        %get3A_526 = arith.index_cast %get3A_525 : i32 to index
        %get3A_527 = arith.index_cast %scan3A_500 : i32 to index
        %get3A_528 = arith.constant 16 : index
        %get3A_529 = tpu.vector_load %arg8[%get3A_526, %get3A_527, %get3A_528] {strides = array<i32>} : memref<3x128x128xf32, #tpu.memory_space<vmem>>, vector<1x1x16xf32>,
        %get3A_530 = vector.shape_cast %get3A_529 : vector<1x1x16xf32> to vector<16xf32>
        %add3A_531 = arith.addf %get3A_524, %get3A_530 : vector<16xf32>
        %swap3A_532 = arith.constant 1 : i32
        %swap3A_533 = arith.index_cast %swap3A_532 : i32 to index
        %swap3A_534 = arith.index_cast %scan3A_500 : i32 to index
        %swap3A_535 = arith.constant 16 : index
        %swap3A_536 = tpu.vector_load %arg7[%swap3A_533, %swap3A_534, %swap3A_535] {strides = array<i32>} : memref<3x128x128xf32, #tpu.memory_space<vmem>>, vector<1x1x16xf32>,
        %swap3A_537 = vector.shape_cast %swap3A_536 : vector<1x1x16xf32> to vector<16xf32>
        %swap3A_538 = vector.shape_cast %add3A_531 : vector<16xf32> to vector<1x1x16xf32>
        tpu.vector_store %arg7[%swap3A_533, %swap3A_534, %swap3A_535], %swap3A_538 {strides = array<i32>} : memref<3x128x128xf32, #tpu.memory_space<vmem>>, vector<1x1x16xf32>,
        %get3A_539 = arith.constant 1 : i32
        %get3A_540 = arith.index_cast %get3A_539 : i32 to index
        %get3A_541 = arith.index_cast %scan3A_500 : i32 to index
        %get3A_542 = arith.constant 32 : index
        %get3A_543 = tpu.vector_load %arg7[%get3A_540, %get3A_541, %get3A_542] {strides = array<i32>} : memref<3x128x128xf32, #tpu.memory_space<vmem>>, vector<1x1x16xf32>,
        %get3A_544 = vector.shape_cast %get3A_543 : vector<1x1x16xf32> to vector<16xf32>
        %get3A_545 = arith.constant 1 : i32
        %get3A_546 = arith.index_cast %get3A_545 : i32 to index
        %get3A_547 = arith.index_cast %scan3A_500 : i32 to index
        %get3A_548 = arith.constant 32 : index
        %get3A_549 = tpu.vector_load %arg8[%get3A_546, %get3A_547, %get3A_548] {strides = array<i32>} : memref<3x128x128xf32, #tpu.memory_space<vmem>>, vector<1x1x16xf32>,
        %get3A_550 = vector.shape_cast %get3A_549 : vector<1x1x16xf32> to vector<16xf32>
        %add3A_551 = arith.addf %get3A_544, %get3A_550 : vector<16xf32>
        %swap3A_552 = arith.constant 1 : i32
        %swap3A_553 = arith.index_cast %swap3A_552 : i32 to index
        %swap3A_554 = arith.index_cast %scan3A_500 : i32 to index
        %swap3A_555 = arith.constant 32 : index
        %swap3A_556 = tpu.vector_load %arg7[%swap3A_553, %swap3A_554, %swap3A_555] {strides = array<i32>} : memref<3x128x128xf32, #tpu.memory_space<vmem>>, vector<1x1x16xf32>,
        %swap3A_557 = vector.shape_cast %swap3A_556 : vector<1x1x16xf32> to vector<16xf32>
        %swap3A_558 = vector.shape_cast %add3A_551 : vector<16xf32> to vector<1x1x16xf32>
        tpu.vector_store %arg7[%swap3A_553, %swap3A_554, %swap3A_555], %swap3A_558 {strides = array<i32>} : memref<3x128x128xf32, #tpu.memory_space<vmem>>, vector<1x1x16xf32>,
        %get3A_559 = arith.constant 1 : i32
        %get3A_560 = arith.index_cast %get3A_559 : i32 to index
        %get3A_561 = arith.index_cast %scan3A_500 : i32 to index
        %get3A_562 = arith.constant 48 : index
        %get3A_563 = tpu.vector_load %arg7[%get3A_560, %get3A_561, %get3A_562] {strides = array<i32>} : memref<3x128x128xf32, #tpu.memory_space<vmem>>, vector<1x1x16xf32>,
        %get3A_564 = vector.shape_cast %get3A_563 : vector<1x1x16xf32> to vector<16xf32>
        %get3A_565 = arith.constant 1 : i32
        %get3A_566 = arith.index_cast %get3A_565 : i32 to index
        %get3A_567 = arith.index_cast %scan3A_500 : i32 to index
        %get3A_568 = arith.constant 48 : index
        %get3A_569 = tpu.vector_load %arg8[%get3A_566, %get3A_567, %get3A_568] {strides = array<i32>} : memref<3x128x128xf32, #tpu.memory_space<vmem>>, vector<1x1x16xf32>,
        %get3A_570 = vector.shape_cast %get3A_569 : vector<1x1x16xf32> to vector<16xf32>
        %add3A_571 = arith.addf %get3A_564, %get3A_570 : vector<16xf32>
        %swap3A_572 = arith.constant 1 : i32
        %swap3A_573 = arith.index_cast %swap3A_572 : i32 to index
        %swap3A_574 = arith.index_cast %scan3A_500 : i32 to index
        %swap3A_575 = arith.constant 48 : index
        %swap3A_576 = tpu.vector_load %arg7[%swap3A_573, %swap3A_574, %swap3A_575] {strides = array<i32>} : memref<3x128x128xf32, #tpu.memory_space<vmem>>, vector<1x1x16xf32>,
        %swap3A_577 = vector.shape_cast %swap3A_576 : vector<1x1x16xf32> to vector<16xf32>
        %swap3A_578 = vector.shape_cast %add3A_571 : vector<16xf32> to vector<1x1x16xf32>
        tpu.vector_store %arg7[%swap3A_573, %swap3A_574, %swap3A_575], %swap3A_578 {strides = array<i32>} : memref<3x128x128xf32, #tpu.memory_space<vmem>>, vector<1x1x16xf32>,
        %get3A_579 = arith.constant 1 : i32
        %get3A_580 = arith.index_cast %get3A_579 : i32 to index
        %get3A_581 = arith.index_cast %scan3A_500 : i32 to index
        %get3A_582 = arith.constant 64 : index
        %get3A_583 = tpu.vector_load %arg7[%get3A_580, %get3A_581, %get3A_582] {strides = array<i32>} : memref<3x128x128xf32, #tpu.memory_space<vmem>>, vector<1x1x16xf32>,
        %get3A_584 = vector.shape_cast %get3A_583 : vector<1x1x16xf32> to vector<16xf32>
        %get3A_585 = arith.constant 1 : i32
        %get3A_586 = arith.index_cast %get3A_585 : i32 to index
        %get3A_587 = arith.index_cast %scan3A_500 : i32 to index
        %get3A_588 = arith.constant 64 : index
        %get3A_589 = tpu.vector_load %arg8[%get3A_586, %get3A_587, %get3A_588] {strides = array<i32>} : memref<3x128x128xf32, #tpu.memory_space<vmem>>, vector<1x1x16xf32>,
        %get3A_590 = vector.shape_cast %get3A_589 : vector<1x1x16xf32> to vector<16xf32>
        %add3A_591 = arith.addf %get3A_584, %get3A_590 : vector<16xf32>
        %swap3A_592 = arith.constant 1 : i32
        %swap3A_593 = arith.index_cast %swap3A_592 : i32 to index
        %swap3A_594 = arith.index_cast %scan3A_500 : i32 to index
        %swap3A_595 = arith.constant 64 : index
        %swap3A_596 = tpu.vector_load %arg7[%swap3A_593, %swap3A_594, %swap3A_595] {strides = array<i32>} : memref<3x128x128xf32, #tpu.memory_space<vmem>>, vector<1x1x16xf32>,
        %swap3A_597 = vector.shape_cast %swap3A_596 : vector<1x1x16xf32> to vector<16xf32>
        %swap3A_598 = vector.shape_cast %add3A_591 : vector<16xf32> to vector<1x1x16xf32>
        tpu.vector_store %arg7[%swap3A_593, %swap3A_594, %swap3A_595], %swap3A_598 {strides = array<i32>} : memref<3x128x128xf32, #tpu.memory_space<vmem>>, vector<1x1x16xf32>,
        %get3A_599 = arith.constant 1 : i32
        %get3A_600 = arith.index_cast %get3A_599 : i32 to index
        %get3A_601 = arith.index_cast %scan3A_500 : i32 to index
        %get3A_602 = arith.constant 80 : index
        %get3A_603 = tpu.vector_load %arg7[%get3A_600, %get3A_601, %get3A_602] {strides = array<i32>} : memref<3x128x128xf32, #tpu.memory_space<vmem>>, vector<1x1x16xf32>,
        %get3A_604 = vector.shape_cast %get3A_603 : vector<1x1x16xf32> to vector<16xf32>
        %get3A_605 = arith.constant 1 : i32
        %get3A_606 = arith.index_cast %get3A_605 : i32 to index
        %get3A_607 = arith.index_cast %scan3A_500 : i32 to index
        %get3A_608 = arith.constant 80 : index
        %get3A_609 = tpu.vector_load %arg8[%get3A_606, %get3A_607, %get3A_608] {strides = array<i32>} : memref<3x128x128xf32, #tpu.memory_space<vmem>>, vector<1x1x16xf32>,
        %get3A_610 = vector.shape_cast %get3A_609 : vector<1x1x16xf32> to vector<16xf32>
        %add3A_611 = arith.addf %get3A_604, %get3A_610 : vector<16xf32>
        %swap3A_612 = arith.constant 1 : i32
        %swap3A_613 = arith.index_cast %swap3A_612 : i32 to index
        %swap3A_614 = arith.index_cast %scan3A_500 : i32 to index
        %swap3A_615 = arith.constant 80 : index
        %swap3A_616 = tpu.vector_load %arg7[%swap3A_613, %swap3A_614, %swap3A_615] {strides = array<i32>} : memref<3x128x128xf32, #tpu.memory_space<vmem>>, vector<1x1x16xf32>,
        %swap3A_617 = vector.shape_cast %swap3A_616 : vector<1x1x16xf32> to vector<16xf32>
        %swap3A_618 = vector.shape_cast %add3A_611 : vector<16xf32> to vector<1x1x16xf32>
        tpu.vector_store %arg7[%swap3A_613, %swap3A_614, %swap3A_615], %swap3A_618 {strides = array<i32>} : memref<3x128x128xf32, #tpu.memory_space<vmem>>, vector<1x1x16xf32>,
        %get3A_619 = arith.constant 1 : i32
        %get3A_620 = arith.index_cast %get3A_619 : i32 to index
        %get3A_621 = arith.index_cast %scan3A_500 : i32 to index
        %get3A_622 = arith.constant 96 : index
        %get3A_623 = tpu.vector_load %arg7[%get3A_620, %get3A_621, %get3A_622] {strides = array<i32>} : memref<3x128x128xf32, #tpu.memory_space<vmem>>, vector<1x1x16xf32>,
        %get3A_624 = vector.shape_cast %get3A_623 : vector<1x1x16xf32> to vector<16xf32>
        %get3A_625 = arith.constant 1 : i32
        %get3A_626 = arith.index_cast %get3A_625 : i32 to index
        %get3A_627 = arith.index_cast %scan3A_500 : i32 to index
        %get3A_628 = arith.constant 96 : index
        %get3A_629 = tpu.vector_load %arg8[%get3A_626, %get3A_627, %get3A_628] {strides = array<i32>} : memref<3x128x128xf32, #tpu.memory_space<vmem>>, vector<1x1x16xf32>,
        %get3A_630 = vector.shape_cast %get3A_629 : vector<1x1x16xf32> to vector<16xf32>
        %add3A_631 = arith.addf %get3A_624, %get3A_630 : vector<16xf32>
        %swap3A_632 = arith.constant 1 : i32
        %swap3A_633 = arith.index_cast %swap3A_632 : i32 to index
        %swap3A_634 = arith.index_cast %scan3A_500 : i32 to index
        %swap3A_635 = arith.constant 96 : index
        %swap3A_636 = tpu.vector_load %arg7[%swap3A_633, %swap3A_634, %swap3A_635] {strides = array<i32>} : memref<3x128x128xf32, #tpu.memory_space<vmem>>, vector<1x1x16xf32>,
        %swap3A_637 = vector.shape_cast %swap3A_636 : vector<1x1x16xf32> to vector<16xf32>
        %swap3A_638 = vector.shape_cast %add3A_631 : vector<16xf32> to vector<1x1x16xf32>
        tpu.vector_store %arg7[%swap3A_633, %swap3A_634, %swap3A_635], %swap3A_638 {strides = array<i32>} : memref<3x128x128xf32, #tpu.memory_space<vmem>>, vector<1x1x16xf32>,
        %get3A_639 = arith.constant 1 : i32
        %get3A_640 = arith.index_cast %get3A_639 : i32 to index
        %get3A_641 = arith.index_cast %scan3A_500 : i32 to index
        %get3A_642 = arith.constant 112 : index
        %get3A_643 = tpu.vector_load %arg7[%get3A_640, %get3A_641, %get3A_642] {strides = array<i32>} : memref<3x128x128xf32, #tpu.memory_space<vmem>>, vector<1x1x16xf32>,
        %get3A_644 = vector.shape_cast %get3A_643 : vector<1x1x16xf32> to vector<16xf32>
        %get3A_645 = arith.constant 1 : i32
        %get3A_646 = arith.index_cast %get3A_645 : i32 to index
        %get3A_647 = arith.index_cast %scan3A_500 : i32 to index
        %get3A_648 = arith.constant 112 : index
        %get3A_649 = tpu.vector_load %arg8[%get3A_646, %get3A_647, %get3A_648] {strides = array<i32>} : memref<3x128x128xf32, #tpu.memory_space<vmem>>, vector<1x1x16xf32>,
        %get3A_650 = vector.shape_cast %get3A_649 : vector<1x1x16xf32> to vector<16xf32>
        %add3A_651 = arith.addf %get3A_644, %get3A_650 : vector<16xf32>
        %swap3A_652 = arith.constant 1 : i32
        %swap3A_653 = arith.index_cast %swap3A_652 : i32 to index
        %swap3A_654 = arith.index_cast %scan3A_500 : i32 to index
        %swap3A_655 = arith.constant 112 : index
        %swap3A_656 = tpu.vector_load %arg7[%swap3A_653, %swap3A_654, %swap3A_655] {strides = array<i32>} : memref<3x128x128xf32, #tpu.memory_space<vmem>>, vector<1x1x16xf32>,
        %swap3A_657 = vector.shape_cast %swap3A_656 : vector<1x1x16xf32> to vector<16xf32>
        %swap3A_658 = vector.shape_cast %add3A_651 : vector<16xf32> to vector<1x1x16xf32>
        tpu.vector_store %arg7[%swap3A_653, %swap3A_654, %swap3A_655], %swap3A_658 {strides = array<i32>} : memref<3x128x128xf32, #tpu.memory_space<vmem>>, vector<1x1x16xf32>,
      }
      %scan3A_407 = arith.constant 128 : i32
      %mul3A_408 = arith.constant 128 : i32
      %mul3A_409 = arith.muli %add3A_357, %mul3A_408 : i32
      %add3A_410 = arith.addi %mul3A_4, %mul3A_409 : i32
      %dma_start3A_411 = arith.constant 1 : i32
      %dma_start3A_412 = arith.constant 1 : i32
      %dma_start3A_413 = arith.constant 0 : i32
      %dma_start3A_414 = arith.constant 0 : i32
      %dma_start3A_415 = tpu.memref_slice %arg7[%dma_start3A_411, %dma_start3A_413, %dma_start3A_414] : memref<3x128x128xf32, #tpu.memory_space<vmem>> -> memref<1x128x128xf32, #tpu.memory_space<vmem>>
      %dma_start3A_416 = tpu.memref_squeeze %dma_start3A_415 : memref<1x128x128xf32, #tpu.memory_space<vmem>> -> memref<128x128xf32, #tpu.memory_space<vmem>>
      %dma_start3A_417 = arith.constant 0 : i32
      %dma_start3A_418 = tpu.memref_slice %arg5[%add3A_410, %dma_start3A_417] : memref<819200x128xf32, #tpu.memory_space<hbm>> -> memref<128x128xf32, #tpu.memory_space<hbm>>
      %dma_start3A_419 = tpu.memref_slice %arg10[%dma_start3A_412] : memref<3x!tpu.dma_semaphore, #tpu.memory_space<semaphore_mem>> -> memref<1x!tpu.dma_semaphore, #tpu.memory_space<semaphore_mem>>
      %dma_start3A_420 = tpu.memref_squeeze %dma_start3A_419 : memref<1x!tpu.dma_semaphore, #tpu.memory_space<semaphore_mem>> -> memref<!tpu.dma_semaphore, #tpu.memory_space<semaphore_mem>>
      %dma_start3A_421 = arith.constant 0 : i32
      %dma_start3A_422 = tpu.memref_slice %arg5[%add3A_410, %dma_start3A_421] : memref<819200x128xf32, #tpu.memory_space<hbm>> -> memref<128x128xf32, #tpu.memory_space<hbm>>
      %dma_start3A_423 = arith.constant 0 : i32
      %dma_start3A_424 = arith.constant 0 : i32
      %dma_start3A_425 = tpu.memref_slice %arg7[%dma_start3A_411, %dma_start3A_423, %dma_start3A_424] : memref<3x128x128xf32, #tpu.memory_space<vmem>> -> memref<1x128x128xf32, #tpu.memory_space<vmem>>
      %dma_start3A_426 = tpu.memref_squeeze %dma_start3A_425 : memref<1x128x128xf32, #tpu.memory_space<vmem>> -> memref<128x128xf32, #tpu.memory_space<vmem>>
      tpu.enqueue_dma source(%dma_start3A_426 : memref<128x128xf32, #tpu.memory_space<vmem>>) target(%dma_start3A_422 : memref<128x128xf32, #tpu.memory_space<hbm>>) target_semaphore(%dma_start3A_420 : memref<!tpu.dma_semaphore, #tpu.memory_space<semaphore_mem>>)
      %mul3A_427 = arith.constant 3 : i32
      %mul3A_428 = arith.muli %scan3A_283, %mul3A_427 : i32
      %add3A_429 = arith.constant 2 : i32
      %add3A_430 = arith.addi %mul3A_428, %add3A_429 : i32
      %add3A_431 = arith.constant 1 : i32
      %add3A_432 = arith.addi %add3A_430, %add3A_431 : i32
      %lt3A_433 = arith.constant 200 : i32
      %lt3A_434 = arith.cmpi slt, %add3A_432, %lt3A_433 : i32
      %convert_element_type3A_435 = arith.extui %lt3A_434 : i1 to i32
      %cond3A_436 = arith.constant 0 : i32
      %cond3A_437 = arith.cmpi ne, %convert_element_type3A_435, %cond3A_436 : i32
      scf.if %cond3A_437 {
        %add3A_500 = arith.constant 1 : i32
        %add3A_501 = arith.addi %add3A_430, %add3A_500 : i32
        %ge3A = arith.constant 3 : i32
        %ge3A_502 = arith.cmpi sge, %add3A_501, %ge3A : i32
        %convert_element_type3A_503 = arith.extui %ge3A_502 : i1 to i32
        %cond3A_504 = arith.constant 0 : i32
        %cond3A_505 = arith.cmpi ne, %convert_element_type3A_503, %cond3A_504 : i32
        scf.if %cond3A_505 {
          %add3A_545 = arith.constant 1 : i32
          %add3A_546 = arith.addi %add3A_430, %add3A_545 : i32
          %sub3A = arith.constant 3 : i32
          %sub3A_547 = arith.subi %add3A_546, %sub3A : i32
          %mul3A_548 = arith.constant 128 : i32
          %mul3A_549 = arith.muli %sub3A_547, %mul3A_548 : i32
          %add3A_550 = arith.addi %mul3A_4, %mul3A_549 : i32
          %dma_wait3A_551 = arith.constant 0 : i32
          %dma_wait3A_552 = arith.constant 0 : i32
          %dma_wait3A_553 = arith.constant 0 : i32
          %dma_wait3A_554 = arith.constant 0 : i32
          %dma_wait3A_555 = tpu.memref_slice %arg7[%dma_wait3A_551, %dma_wait3A_553, %dma_wait3A_554] : memref<3x128x128xf32, #tpu.memory_space<vmem>> -> memref<1x128x128xf32, #tpu.memory_space<vmem>>
          %dma_wait3A_556 = tpu.memref_squeeze %dma_wait3A_555 : memref<1x128x128xf32, #tpu.memory_space<vmem>> -> memref<128x128xf32, #tpu.memory_space<vmem>>
          %dma_wait3A_557 = arith.constant 0 : i32
          %dma_wait3A_558 = tpu.memref_slice %arg5[%add3A_550, %dma_wait3A_557] : memref<819200x128xf32, #tpu.memory_space<hbm>> -> memref<128x128xf32, #tpu.memory_space<hbm>>
          %dma_wait3A_559 = tpu.memref_slice %arg10[%dma_wait3A_552] : memref<3x!tpu.dma_semaphore, #tpu.memory_space<semaphore_mem>> -> memref<1x!tpu.dma_semaphore, #tpu.memory_space<semaphore_mem>>
          %dma_wait3A_560 = tpu.memref_squeeze %dma_wait3A_559 : memref<1x!tpu.dma_semaphore, #tpu.memory_space<semaphore_mem>> -> memref<!tpu.dma_semaphore, #tpu.memory_space<semaphore_mem>>
          %dma_wait3A_561 = arith.constant 0 : i32
          %dma_wait3A_562 = tpu.memref_slice %arg5[%add3A_550, %dma_wait3A_561] : memref<819200x128xf32, #tpu.memory_space<hbm>> -> memref<128x128xf32, #tpu.memory_space<hbm>>
          %dma_wait3A_563 = arith.constant 0 : i32
          %dma_wait3A_564 = arith.constant 0 : i32
          %dma_wait3A_565 = tpu.memref_slice %arg7[%dma_wait3A_551, %dma_wait3A_563, %dma_wait3A_564] : memref<3x128x128xf32, #tpu.memory_space<vmem>> -> memref<1x128x128xf32, #tpu.memory_space<vmem>>
          %dma_wait3A_566 = tpu.memref_squeeze %dma_wait3A_565 : memref<1x128x128xf32, #tpu.memory_space<vmem>> -> memref<128x128xf32, #tpu.memory_space<vmem>>
          tpu.wait_dma2 semaphore(%dma_wait3A_560 : memref<!tpu.dma_semaphore, #tpu.memory_space<semaphore_mem>>) src(%dma_wait3A_566 : memref<128x128xf32, #tpu.memory_space<vmem>>) dst(%dma_wait3A_562 : memref<128x128xf32, #tpu.memory_space<hbm>>)
        } else {
        }
        %add3A_506 = arith.constant 1 : i32
        %add3A_507 = arith.addi %add3A_430, %add3A_506 : i32
        %dma_start3A_508 = arith.constant 0 : i32
        %dma_start3A_509 = arith.constant 0 : i32
        %dma_start3A_510 = arith.constant 0 : i32
        %dma_start3A_511 = arith.constant 0 : i32
        %dma_start3A_512 = tpu.memref_slice %arg8[%dma_start3A_508, %dma_start3A_510, %dma_start3A_511] : memref<3x128x128xf32, #tpu.memory_space<vmem>> -> memref<1x128x128xf32, #tpu.memory_space<vmem>>
        %dma_start3A_513 = tpu.memref_squeeze %dma_start3A_512 : memref<1x128x128xf32, #tpu.memory_space<vmem>> -> memref<128x128xf32, #tpu.memory_space<vmem>>
        %dma_start3A_514 = arith.constant 0 : i32
        %dma_start3A_515 = tpu.memref_slice %arg6[%add3A_507, %dma_start3A_514] : memref<200x128xi32, #tpu.memory_space<vmem>> -> memref<1x128xi32, #tpu.memory_space<vmem>>
        %dma_start3A_516 = tpu.memref_squeeze %dma_start3A_515 : memref<1x128xi32, #tpu.memory_space<vmem>> -> memref<128xi32, #tpu.memory_space<vmem>>
        %dma_start3A_517 = arith.constant 0 : i32
        %dma_start3A_518 = arith.constant 0 : i32
        %dma_start3A_519 = tpu.memref_slice %arg4[%rem3A_5, %dma_start3A_517, %dma_start3A_518] : memref<8x1000x128xf32, #tpu.memory_space<hbm>> -> memref<1x1000x128xf32, #tpu.memory_space<hbm>>
        %dma_start3A_520 = tpu.memref_squeeze %dma_start3A_519 : memref<1x1000x128xf32, #tpu.memory_space<hbm>> -> memref<1000x128xf32, #tpu.memory_space<hbm>>
        %dma_start3A_521 = arith.constant 0 : i32
        %dma_start3A_522 = arith.constant 0 : i32
        %dma_start3A_523 = tpu.memref_slice %dma_start3A_520[%dma_start3A_521, %dma_start3A_522] : memref<1000x128xf32, #tpu.memory_space<hbm>> -> memref<1000x128xf32, #tpu.memory_space<hbm>>
        %dma_start3A_524 = tpu.memref_slice %arg9[%dma_start3A_509] : memref<3x!tpu.dma_semaphore, #tpu.memory_space<semaphore_mem>> -> memref<1x!tpu.dma_semaphore, #tpu.memory_space<semaphore_mem>>
        %dma_start3A_525 = tpu.memref_squeeze %dma_start3A_524 : memref<1x!tpu.dma_semaphore, #tpu.memory_space<semaphore_mem>> -> memref<!tpu.dma_semaphore, #tpu.memory_space<semaphore_mem>>
        tpu.enqueue_indirect_dma source(%dma_start3A_523 : memref<1000x128xf32, #tpu.memory_space<hbm>>) target(%dma_start3A_513 : memref<128x128xf32, #tpu.memory_space<vmem>>) offsets(%dma_start3A_516 : memref<128xi32, #tpu.memory_space<vmem>>) semaphore(%dma_start3A_525 : memref<!tpu.dma_semaphore, #tpu.memory_space<semaphore_mem>>)
        %mul3A_526 = arith.constant 128 : i32
        %mul3A_527 = arith.muli %add3A_507, %mul3A_526 : i32
        %add3A_528 = arith.addi %mul3A_4, %mul3A_527 : i32
        %dma_start3A_529 = arith.constant 0 : i32
        %dma_start3A_530 = arith.constant 0 : i32
        %dma_start3A_531 = arith.constant 0 : i32
        %dma_start3A_532 = arith.constant 0 : i32
        %dma_start3A_533 = tpu.memref_slice %arg7[%dma_start3A_529, %dma_start3A_531, %dma_start3A_532] : memref<3x128x128xf32, #tpu.memory_space<vmem>> -> memref<1x128x128xf32, #tpu.memory_space<vmem>>
        %dma_start3A_534 = tpu.memref_squeeze %dma_start3A_533 : memref<1x128x128xf32, #tpu.memory_space<vmem>> -> memref<128x128xf32, #tpu.memory_space<vmem>>
        %dma_start3A_535 = arith.constant 0 : i32
        %dma_start3A_536 = tpu.memref_slice %arg2[%add3A_528, %dma_start3A_535] : memref<819200x128xf32, #tpu.memory_space<hbm>> -> memref<128x128xf32, #tpu.memory_space<hbm>>
        %dma_start3A_537 = tpu.memref_slice %arg9[%dma_start3A_530] : memref<3x!tpu.dma_semaphore, #tpu.memory_space<semaphore_mem>> -> memref<1x!tpu.dma_semaphore, #tpu.memory_space<semaphore_mem>>
        %dma_start3A_538 = tpu.memref_squeeze %dma_start3A_537 : memref<1x!tpu.dma_semaphore, #tpu.memory_space<semaphore_mem>> -> memref<!tpu.dma_semaphore, #tpu.memory_space<semaphore_mem>>
        %dma_start3A_539 = arith.constant 0 : i32
        %dma_start3A_540 = arith.constant 0 : i32
        %dma_start3A_541 = tpu.memref_slice %arg7[%dma_start3A_529, %dma_start3A_539, %dma_start3A_540] : memref<3x128x128xf32, #tpu.memory_space<vmem>> -> memref<1x128x128xf32, #tpu.memory_space<vmem>>
        %dma_start3A_542 = tpu.memref_squeeze %dma_start3A_541 : memref<1x128x128xf32, #tpu.memory_space<vmem>> -> memref<128x128xf32, #tpu.memory_space<vmem>>
        %dma_start3A_543 = arith.constant 0 : i32
        %dma_start3A_544 = tpu.memref_slice %arg2[%add3A_528, %dma_start3A_543] : memref<819200x128xf32, #tpu.memory_space<hbm>> -> memref<128x128xf32, #tpu.memory_space<hbm>>
        tpu.enqueue_dma source(%dma_start3A_544 : memref<128x128xf32, #tpu.memory_space<hbm>>) target(%dma_start3A_542 : memref<128x128xf32, #tpu.memory_space<vmem>>) target_semaphore(%dma_start3A_538 : memref<!tpu.dma_semaphore, #tpu.memory_space<semaphore_mem>>)
      } else {
      }
      %dma_wait3A_438 = arith.constant 2 : i32
      %dma_wait3A_439 = arith.constant 2 : i32
      %dma_wait3A_440 = arith.constant 0 : i32
      %dma_wait3A_441 = arith.constant 0 : i32
      %dma_wait3A_442 = tpu.memref_slice %arg8[%dma_wait3A_438, %dma_wait3A_440, %dma_wait3A_441] : memref<3x128x128xf32, #tpu.memory_space<vmem>> -> memref<1x128x128xf32, #tpu.memory_space<vmem>>
      %dma_wait3A_443 = tpu.memref_squeeze %dma_wait3A_442 : memref<1x128x128xf32, #tpu.memory_space<vmem>> -> memref<128x128xf32, #tpu.memory_space<vmem>>
      %dma_wait3A_444 = arith.constant 0 : i32
      %dma_wait3A_445 = tpu.memref_slice %arg6[%add3A_430, %dma_wait3A_444] : memref<200x128xi32, #tpu.memory_space<vmem>> -> memref<1x128xi32, #tpu.memory_space<vmem>>
      %dma_wait3A_446 = tpu.memref_squeeze %dma_wait3A_445 : memref<1x128xi32, #tpu.memory_space<vmem>> -> memref<128xi32, #tpu.memory_space<vmem>>
      %dma_wait3A_447 = arith.constant 0 : i32
      %dma_wait3A_448 = arith.constant 0 : i32
      %dma_wait3A_449 = tpu.memref_slice %arg4[%rem3A_5, %dma_wait3A_447, %dma_wait3A_448] : memref<8x1000x128xf32, #tpu.memory_space<hbm>> -> memref<1x1000x128xf32, #tpu.memory_space<hbm>>
      %dma_wait3A_450 = tpu.memref_squeeze %dma_wait3A_449 : memref<1x1000x128xf32, #tpu.memory_space<hbm>> -> memref<1000x128xf32, #tpu.memory_space<hbm>>
      %dma_wait3A_451 = arith.constant 0 : i32
      %dma_wait3A_452 = arith.constant 0 : i32
      %dma_wait3A_453 = tpu.memref_slice %dma_wait3A_450[%dma_wait3A_451, %dma_wait3A_452] : memref<1000x128xf32, #tpu.memory_space<hbm>> -> memref<1000x128xf32, #tpu.memory_space<hbm>>
      %dma_wait3A_454 = tpu.memref_slice %arg9[%dma_wait3A_439] : memref<3x!tpu.dma_semaphore, #tpu.memory_space<semaphore_mem>> -> memref<1x!tpu.dma_semaphore, #tpu.memory_space<semaphore_mem>>
      %dma_wait3A_455 = tpu.memref_squeeze %dma_wait3A_454 : memref<1x!tpu.dma_semaphore, #tpu.memory_space<semaphore_mem>> -> memref<!tpu.dma_semaphore, #tpu.memory_space<semaphore_mem>>
      tpu.wait_indirect_dma semaphore(%dma_wait3A_455 : memref<!tpu.dma_semaphore, #tpu.memory_space<semaphore_mem>>) src(%dma_wait3A_453 : memref<1000x128xf32, #tpu.memory_space<hbm>>) dst(%dma_wait3A_443 : memref<128x128xf32, #tpu.memory_space<vmem>>)
      %mul3A_456 = arith.constant 128 : i32
      %mul3A_457 = arith.muli %add3A_430, %mul3A_456 : i32
      %add3A_458 = arith.addi %mul3A_4, %mul3A_457 : i32
      %dma_wait3A_459 = arith.constant 2 : i32
      %dma_wait3A_460 = arith.constant 2 : i32
      %dma_wait3A_461 = arith.constant 0 : i32
      %dma_wait3A_462 = arith.constant 0 : i32
      %dma_wait3A_463 = tpu.memref_slice %arg7[%dma_wait3A_459, %dma_wait3A_461, %dma_wait3A_462] : memref<3x128x128xf32, #tpu.memory_space<vmem>> -> memref<1x128x128xf32, #tpu.memory_space<vmem>>
      %dma_wait3A_464 = tpu.memref_squeeze %dma_wait3A_463 : memref<1x128x128xf32, #tpu.memory_space<vmem>> -> memref<128x128xf32, #tpu.memory_space<vmem>>
      %dma_wait3A_465 = arith.constant 0 : i32
      %dma_wait3A_466 = tpu.memref_slice %arg2[%add3A_458, %dma_wait3A_465] : memref<819200x128xf32, #tpu.memory_space<hbm>> -> memref<128x128xf32, #tpu.memory_space<hbm>>
      %dma_wait3A_467 = tpu.memref_slice %arg9[%dma_wait3A_460] : memref<3x!tpu.dma_semaphore, #tpu.memory_space<semaphore_mem>> -> memref<1x!tpu.dma_semaphore, #tpu.memory_space<semaphore_mem>>
      %dma_wait3A_468 = tpu.memref_squeeze %dma_wait3A_467 : memref<1x!tpu.dma_semaphore, #tpu.memory_space<semaphore_mem>> -> memref<!tpu.dma_semaphore, #tpu.memory_space<semaphore_mem>>
      %dma_wait3A_469 = arith.constant 0 : i32
      %dma_wait3A_470 = arith.constant 0 : i32
      %dma_wait3A_471 = tpu.memref_slice %arg7[%dma_wait3A_459, %dma_wait3A_469, %dma_wait3A_470] : memref<3x128x128xf32, #tpu.memory_space<vmem>> -> memref<1x128x128xf32, #tpu.memory_space<vmem>>
      %dma_wait3A_472 = tpu.memref_squeeze %dma_wait3A_471 : memref<1x128x128xf32, #tpu.memory_space<vmem>> -> memref<128x128xf32, #tpu.memory_space<vmem>>
      %dma_wait3A_473 = arith.constant 0 : i32
      %dma_wait3A_474 = tpu.memref_slice %arg2[%add3A_458, %dma_wait3A_473] : memref<819200x128xf32, #tpu.memory_space<hbm>> -> memref<128x128xf32, #tpu.memory_space<hbm>>
      tpu.wait_dma2 semaphore(%dma_wait3A_468 : memref<!tpu.dma_semaphore, #tpu.memory_space<semaphore_mem>>) src(%dma_wait3A_474 : memref<128x128xf32, #tpu.memory_space<hbm>>) dst(%dma_wait3A_472 : memref<128x128xf32, #tpu.memory_space<vmem>>)
      %scan3A_475 = arith.constant 0 : i32
      %scan3A_476 = arith.constant 0 : i32
      %scan3A_477 = arith.constant 128 : i32
      %scan3A_478 = arith.addi %scan3A_476, %scan3A_477 : i32
      %scan3A_479 = arith.constant 1 : i32
      scf.for %scan3A_500 = %scan3A_476 to %scan3A_478 step %scan3A_479  : i32 {
        %get3A = arith.constant 2 : i32
        %get3A_501 = arith.index_cast %get3A : i32 to index
        %get3A_502 = arith.index_cast %scan3A_500 : i32 to index
        %get3A_503 = arith.constant 0 : index
        %get3A_504 = tpu.vector_load %arg7[%get3A_501, %get3A_502, %get3A_503] {strides = array<i32>} : memref<3x128x128xf32, #tpu.memory_space<vmem>>, vector<1x1x16xf32>,
        %get3A_505 = vector.shape_cast %get3A_504 : vector<1x1x16xf32> to vector<16xf32>
        %get3A_506 = arith.constant 2 : i32
        %get3A_507 = arith.index_cast %get3A_506 : i32 to index
        %get3A_508 = arith.index_cast %scan3A_500 : i32 to index
        %get3A_509 = arith.constant 0 : index
        %get3A_510 = tpu.vector_load %arg8[%get3A_507, %get3A_508, %get3A_509] {strides = array<i32>} : memref<3x128x128xf32, #tpu.memory_space<vmem>>, vector<1x1x16xf32>,
        %get3A_511 = vector.shape_cast %get3A_510 : vector<1x1x16xf32> to vector<16xf32>
        %add3A_512 = arith.addf %get3A_505, %get3A_511 : vector<16xf32>
        %swap3A = arith.constant 2 : i32
        %swap3A_513 = arith.index_cast %swap3A : i32 to index
        %swap3A_514 = arith.index_cast %scan3A_500 : i32 to index
        %swap3A_515 = arith.constant 0 : index
        %swap3A_516 = tpu.vector_load %arg7[%swap3A_513, %swap3A_514, %swap3A_515] {strides = array<i32>} : memref<3x128x128xf32, #tpu.memory_space<vmem>>, vector<1x1x16xf32>,
        %swap3A_517 = vector.shape_cast %swap3A_516 : vector<1x1x16xf32> to vector<16xf32>
        %swap3A_518 = vector.shape_cast %add3A_512 : vector<16xf32> to vector<1x1x16xf32>
        tpu.vector_store %arg7[%swap3A_513, %swap3A_514, %swap3A_515], %swap3A_518 {strides = array<i32>} : memref<3x128x128xf32, #tpu.memory_space<vmem>>, vector<1x1x16xf32>,
        %get3A_519 = arith.constant 2 : i32
        %get3A_520 = arith.index_cast %get3A_519 : i32 to index
        %get3A_521 = arith.index_cast %scan3A_500 : i32 to index
        %get3A_522 = arith.constant 16 : index
        %get3A_523 = tpu.vector_load %arg7[%get3A_520, %get3A_521, %get3A_522] {strides = array<i32>} : memref<3x128x128xf32, #tpu.memory_space<vmem>>, vector<1x1x16xf32>,
        %get3A_524 = vector.shape_cast %get3A_523 : vector<1x1x16xf32> to vector<16xf32>
        %get3A_525 = arith.constant 2 : i32
        %get3A_526 = arith.index_cast %get3A_525 : i32 to index
        %get3A_527 = arith.index_cast %scan3A_500 : i32 to index
        %get3A_528 = arith.constant 16 : index
        %get3A_529 = tpu.vector_load %arg8[%get3A_526, %get3A_527, %get3A_528] {strides = array<i32>} : memref<3x128x128xf32, #tpu.memory_space<vmem>>, vector<1x1x16xf32>,
        %get3A_530 = vector.shape_cast %get3A_529 : vector<1x1x16xf32> to vector<16xf32>
        %add3A_531 = arith.addf %get3A_524, %get3A_530 : vector<16xf32>
        %swap3A_532 = arith.constant 2 : i32
        %swap3A_533 = arith.index_cast %swap3A_532 : i32 to index
        %swap3A_534 = arith.index_cast %scan3A_500 : i32 to index
        %swap3A_535 = arith.constant 16 : index
        %swap3A_536 = tpu.vector_load %arg7[%swap3A_533, %swap3A_534, %swap3A_535] {strides = array<i32>} : memref<3x128x128xf32, #tpu.memory_space<vmem>>, vector<1x1x16xf32>,
        %swap3A_537 = vector.shape_cast %swap3A_536 : vector<1x1x16xf32> to vector<16xf32>
        %swap3A_538 = vector.shape_cast %add3A_531 : vector<16xf32> to vector<1x1x16xf32>
        tpu.vector_store %arg7[%swap3A_533, %swap3A_534, %swap3A_535], %swap3A_538 {strides = array<i32>} : memref<3x128x128xf32, #tpu.memory_space<vmem>>, vector<1x1x16xf32>,
        %get3A_539 = arith.constant 2 : i32
        %get3A_540 = arith.index_cast %get3A_539 : i32 to index
        %get3A_541 = arith.index_cast %scan3A_500 : i32 to index
        %get3A_542 = arith.constant 32 : index
        %get3A_543 = tpu.vector_load %arg7[%get3A_540, %get3A_541, %get3A_542] {strides = array<i32>} : memref<3x128x128xf32, #tpu.memory_space<vmem>>, vector<1x1x16xf32>,
        %get3A_544 = vector.shape_cast %get3A_543 : vector<1x1x16xf32> to vector<16xf32>
        %get3A_545 = arith.constant 2 : i32
        %get3A_546 = arith.index_cast %get3A_545 : i32 to index
        %get3A_547 = arith.index_cast %scan3A_500 : i32 to index
        %get3A_548 = arith.constant 32 : index
        %get3A_549 = tpu.vector_load %arg8[%get3A_546, %get3A_547, %get3A_548] {strides = array<i32>} : memref<3x128x128xf32, #tpu.memory_space<vmem>>, vector<1x1x16xf32>,
        %get3A_550 = vector.shape_cast %get3A_549 : vector<1x1x16xf32> to vector<16xf32>
        %add3A_551 = arith.addf %get3A_544, %get3A_550 : vector<16xf32>
        %swap3A_552 = arith.constant 2 : i32
        %swap3A_553 = arith.index_cast %swap3A_552 : i32 to index
        %swap3A_554 = arith.index_cast %scan3A_500 : i32 to index
        %swap3A_555 = arith.constant 32 : index
        %swap3A_556 = tpu.vector_load %arg7[%swap3A_553, %swap3A_554, %swap3A_555] {strides = array<i32>} : memref<3x128x128xf32, #tpu.memory_space<vmem>>, vector<1x1x16xf32>,
        %swap3A_557 = vector.shape_cast %swap3A_556 : vector<1x1x16xf32> to vector<16xf32>
        %swap3A_558 = vector.shape_cast %add3A_551 : vector<16xf32> to vector<1x1x16xf32>
        tpu.vector_store %arg7[%swap3A_553, %swap3A_554, %swap3A_555], %swap3A_558 {strides = array<i32>} : memref<3x128x128xf32, #tpu.memory_space<vmem>>, vector<1x1x16xf32>,
        %get3A_559 = arith.constant 2 : i32
        %get3A_560 = arith.index_cast %get3A_559 : i32 to index
        %get3A_561 = arith.index_cast %scan3A_500 : i32 to index
        %get3A_562 = arith.constant 48 : index
        %get3A_563 = tpu.vector_load %arg7[%get3A_560, %get3A_561, %get3A_562] {strides = array<i32>} : memref<3x128x128xf32, #tpu.memory_space<vmem>>, vector<1x1x16xf32>,
        %get3A_564 = vector.shape_cast %get3A_563 : vector<1x1x16xf32> to vector<16xf32>
        %get3A_565 = arith.constant 2 : i32
        %get3A_566 = arith.index_cast %get3A_565 : i32 to index
        %get3A_567 = arith.index_cast %scan3A_500 : i32 to index
        %get3A_568 = arith.constant 48 : index
        %get3A_569 = tpu.vector_load %arg8[%get3A_566, %get3A_567, %get3A_568] {strides = array<i32>} : memref<3x128x128xf32, #tpu.memory_space<vmem>>, vector<1x1x16xf32>,
        %get3A_570 = vector.shape_cast %get3A_569 : vector<1x1x16xf32> to vector<16xf32>
        %add3A_571 = arith.addf %get3A_564, %get3A_570 : vector<16xf32>
        %swap3A_572 = arith.constant 2 : i32
        %swap3A_573 = arith.index_cast %swap3A_572 : i32 to index
        %swap3A_574 = arith.index_cast %scan3A_500 : i32 to index
        %swap3A_575 = arith.constant 48 : index
        %swap3A_576 = tpu.vector_load %arg7[%swap3A_573, %swap3A_574, %swap3A_575] {strides = array<i32>} : memref<3x128x128xf32, #tpu.memory_space<vmem>>, vector<1x1x16xf32>,
        %swap3A_577 = vector.shape_cast %swap3A_576 : vector<1x1x16xf32> to vector<16xf32>
        %swap3A_578 = vector.shape_cast %add3A_571 : vector<16xf32> to vector<1x1x16xf32>
        tpu.vector_store %arg7[%swap3A_573, %swap3A_574, %swap3A_575], %swap3A_578 {strides = array<i32>} : memref<3x128x128xf32, #tpu.memory_space<vmem>>, vector<1x1x16xf32>,
        %get3A_579 = arith.constant 2 : i32
        %get3A_580 = arith.index_cast %get3A_579 : i32 to index
        %get3A_581 = arith.index_cast %scan3A_500 : i32 to index
        %get3A_582 = arith.constant 64 : index
        %get3A_583 = tpu.vector_load %arg7[%get3A_580, %get3A_581, %get3A_582] {strides = array<i32>} : memref<3x128x128xf32, #tpu.memory_space<vmem>>, vector<1x1x16xf32>,
        %get3A_584 = vector.shape_cast %get3A_583 : vector<1x1x16xf32> to vector<16xf32>
        %get3A_585 = arith.constant 2 : i32
        %get3A_586 = arith.index_cast %get3A_585 : i32 to index
        %get3A_587 = arith.index_cast %scan3A_500 : i32 to index
        %get3A_588 = arith.constant 64 : index
        %get3A_589 = tpu.vector_load %arg8[%get3A_586, %get3A_587, %get3A_588] {strides = array<i32>} : memref<3x128x128xf32, #tpu.memory_space<vmem>>, vector<1x1x16xf32>,
        %get3A_590 = vector.shape_cast %get3A_589 : vector<1x1x16xf32> to vector<16xf32>
        %add3A_591 = arith.addf %get3A_584, %get3A_590 : vector<16xf32>
        %swap3A_592 = arith.constant 2 : i32
        %swap3A_593 = arith.index_cast %swap3A_592 : i32 to index
        %swap3A_594 = arith.index_cast %scan3A_500 : i32 to index
        %swap3A_595 = arith.constant 64 : index
        %swap3A_596 = tpu.vector_load %arg7[%swap3A_593, %swap3A_594, %swap3A_595] {strides = array<i32>} : memref<3x128x128xf32, #tpu.memory_space<vmem>>, vector<1x1x16xf32>,
        %swap3A_597 = vector.shape_cast %swap3A_596 : vector<1x1x16xf32> to vector<16xf32>
        %swap3A_598 = vector.shape_cast %add3A_591 : vector<16xf32> to vector<1x1x16xf32>
        tpu.vector_store %arg7[%swap3A_593, %swap3A_594, %swap3A_595], %swap3A_598 {strides = array<i32>} : memref<3x128x128xf32, #tpu.memory_space<vmem>>, vector<1x1x16xf32>,
        %get3A_599 = arith.constant 2 : i32
        %get3A_600 = arith.index_cast %get3A_599 : i32 to index
        %get3A_601 = arith.index_cast %scan3A_500 : i32 to index
        %get3A_602 = arith.constant 80 : index
        %get3A_603 = tpu.vector_load %arg7[%get3A_600, %get3A_601, %get3A_602] {strides = array<i32>} : memref<3x128x128xf32, #tpu.memory_space<vmem>>, vector<1x1x16xf32>,
        %get3A_604 = vector.shape_cast %get3A_603 : vector<1x1x16xf32> to vector<16xf32>
        %get3A_605 = arith.constant 2 : i32
        %get3A_606 = arith.index_cast %get3A_605 : i32 to index
        %get3A_607 = arith.index_cast %scan3A_500 : i32 to index
        %get3A_608 = arith.constant 80 : index
        %get3A_609 = tpu.vector_load %arg8[%get3A_606, %get3A_607, %get3A_608] {strides = array<i32>} : memref<3x128x128xf32, #tpu.memory_space<vmem>>, vector<1x1x16xf32>,
        %get3A_610 = vector.shape_cast %get3A_609 : vector<1x1x16xf32> to vector<16xf32>
        %add3A_611 = arith.addf %get3A_604, %get3A_610 : vector<16xf32>
        %swap3A_612 = arith.constant 2 : i32
        %swap3A_613 = arith.index_cast %swap3A_612 : i32 to index
        %swap3A_614 = arith.index_cast %scan3A_500 : i32 to index
        %swap3A_615 = arith.constant 80 : index
        %swap3A_616 = tpu.vector_load %arg7[%swap3A_613, %swap3A_614, %swap3A_615] {strides = array<i32>} : memref<3x128x128xf32, #tpu.memory_space<vmem>>, vector<1x1x16xf32>,
        %swap3A_617 = vector.shape_cast %swap3A_616 : vector<1x1x16xf32> to vector<16xf32>
        %swap3A_618 = vector.shape_cast %add3A_611 : vector<16xf32> to vector<1x1x16xf32>
        tpu.vector_store %arg7[%swap3A_613, %swap3A_614, %swap3A_615], %swap3A_618 {strides = array<i32>} : memref<3x128x128xf32, #tpu.memory_space<vmem>>, vector<1x1x16xf32>,
        %get3A_619 = arith.constant 2 : i32
        %get3A_620 = arith.index_cast %get3A_619 : i32 to index
        %get3A_621 = arith.index_cast %scan3A_500 : i32 to index
        %get3A_622 = arith.constant 96 : index
        %get3A_623 = tpu.vector_load %arg7[%get3A_620, %get3A_621, %get3A_622] {strides = array<i32>} : memref<3x128x128xf32, #tpu.memory_space<vmem>>, vector<1x1x16xf32>,
        %get3A_624 = vector.shape_cast %get3A_623 : vector<1x1x16xf32> to vector<16xf32>
        %get3A_625 = arith.constant 2 : i32
        %get3A_626 = arith.index_cast %get3A_625 : i32 to index
        %get3A_627 = arith.index_cast %scan3A_500 : i32 to index
        %get3A_628 = arith.constant 96 : index
        %get3A_629 = tpu.vector_load %arg8[%get3A_626, %get3A_627, %get3A_628] {strides = array<i32>} : memref<3x128x128xf32, #tpu.memory_space<vmem>>, vector<1x1x16xf32>,
        %get3A_630 = vector.shape_cast %get3A_629 : vector<1x1x16xf32> to vector<16xf32>
        %add3A_631 = arith.addf %get3A_624, %get3A_630 : vector<16xf32>
        %swap3A_632 = arith.constant 2 : i32
        %swap3A_633 = arith.index_cast %swap3A_632 : i32 to index
        %swap3A_634 = arith.index_cast %scan3A_500 : i32 to index
        %swap3A_635 = arith.constant 96 : index
        %swap3A_636 = tpu.vector_load %arg7[%swap3A_633, %swap3A_634, %swap3A_635] {strides = array<i32>} : memref<3x128x128xf32, #tpu.memory_space<vmem>>, vector<1x1x16xf32>,
        %swap3A_637 = vector.shape_cast %swap3A_636 : vector<1x1x16xf32> to vector<16xf32>
        %swap3A_638 = vector.shape_cast %add3A_631 : vector<16xf32> to vector<1x1x16xf32>
        tpu.vector_store %arg7[%swap3A_633, %swap3A_634, %swap3A_635], %swap3A_638 {strides = array<i32>} : memref<3x128x128xf32, #tpu.memory_space<vmem>>, vector<1x1x16xf32>,
        %get3A_639 = arith.constant 2 : i32
        %get3A_640 = arith.index_cast %get3A_639 : i32 to index
        %get3A_641 = arith.index_cast %scan3A_500 : i32 to index
        %get3A_642 = arith.constant 112 : index
        %get3A_643 = tpu.vector_load %arg7[%get3A_640, %get3A_641, %get3A_642] {strides = array<i32>} : memref<3x128x128xf32, #tpu.memory_space<vmem>>, vector<1x1x16xf32>,
        %get3A_644 = vector.shape_cast %get3A_643 : vector<1x1x16xf32> to vector<16xf32>
        %get3A_645 = arith.constant 2 : i32
        %get3A_646 = arith.index_cast %get3A_645 : i32 to index
        %get3A_647 = arith.index_cast %scan3A_500 : i32 to index
        %get3A_648 = arith.constant 112 : index
        %get3A_649 = tpu.vector_load %arg8[%get3A_646, %get3A_647, %get3A_648] {strides = array<i32>} : memref<3x128x128xf32, #tpu.memory_space<vmem>>, vector<1x1x16xf32>,
        %get3A_650 = vector.shape_cast %get3A_649 : vector<1x1x16xf32> to vector<16xf32>
        %add3A_651 = arith.addf %get3A_644, %get3A_650 : vector<16xf32>
        %swap3A_652 = arith.constant 2 : i32
        %swap3A_653 = arith.index_cast %swap3A_652 : i32 to index
        %swap3A_654 = arith.index_cast %scan3A_500 : i32 to index
        %swap3A_655 = arith.constant 112 : index
        %swap3A_656 = tpu.vector_load %arg7[%swap3A_653, %swap3A_654, %swap3A_655] {strides = array<i32>} : memref<3x128x128xf32, #tpu.memory_space<vmem>>, vector<1x1x16xf32>,
        %swap3A_657 = vector.shape_cast %swap3A_656 : vector<1x1x16xf32> to vector<16xf32>
        %swap3A_658 = vector.shape_cast %add3A_651 : vector<16xf32> to vector<1x1x16xf32>
        tpu.vector_store %arg7[%swap3A_653, %swap3A_654, %swap3A_655], %swap3A_658 {strides = array<i32>} : memref<3x128x128xf32, #tpu.memory_space<vmem>>, vector<1x1x16xf32>,
      }
      %scan3A_480 = arith.constant 128 : i32
      %mul3A_481 = arith.constant 128 : i32
      %mul3A_482 = arith.muli %add3A_430, %mul3A_481 : i32
      %add3A_483 = arith.addi %mul3A_4, %mul3A_482 : i32
      %dma_start3A_484 = arith.constant 2 : i32
      %dma_start3A_485 = arith.constant 2 : i32
      %dma_start3A_486 = arith.constant 0 : i32
      %dma_start3A_487 = arith.constant 0 : i32
      %dma_start3A_488 = tpu.memref_slice %arg7[%dma_start3A_484, %dma_start3A_486, %dma_start3A_487] : memref<3x128x128xf32, #tpu.memory_space<vmem>> -> memref<1x128x128xf32, #tpu.memory_space<vmem>>
      %dma_start3A_489 = tpu.memref_squeeze %dma_start3A_488 : memref<1x128x128xf32, #tpu.memory_space<vmem>> -> memref<128x128xf32, #tpu.memory_space<vmem>>
      %dma_start3A_490 = arith.constant 0 : i32
      %dma_start3A_491 = tpu.memref_slice %arg5[%add3A_483, %dma_start3A_490] : memref<819200x128xf32, #tpu.memory_space<hbm>> -> memref<128x128xf32, #tpu.memory_space<hbm>>
      %dma_start3A_492 = tpu.memref_slice %arg10[%dma_start3A_485] : memref<3x!tpu.dma_semaphore, #tpu.memory_space<semaphore_mem>> -> memref<1x!tpu.dma_semaphore, #tpu.memory_space<semaphore_mem>>
      %dma_start3A_493 = tpu.memref_squeeze %dma_start3A_492 : memref<1x!tpu.dma_semaphore, #tpu.memory_space<semaphore_mem>> -> memref<!tpu.dma_semaphore, #tpu.memory_space<semaphore_mem>>
      %dma_start3A_494 = arith.constant 0 : i32
      %dma_start3A_495 = tpu.memref_slice %arg5[%add3A_483, %dma_start3A_494] : memref<819200x128xf32, #tpu.memory_space<hbm>> -> memref<128x128xf32, #tpu.memory_space<hbm>>
      %dma_start3A_496 = arith.constant 0 : i32
      %dma_start3A_497 = arith.constant 0 : i32
      %dma_start3A_498 = tpu.memref_slice %arg7[%dma_start3A_484, %dma_start3A_496, %dma_start3A_497] : memref<3x128x128xf32, #tpu.memory_space<vmem>> -> memref<1x128x128xf32, #tpu.memory_space<vmem>>
      %dma_start3A_499 = tpu.memref_squeeze %dma_start3A_498 : memref<1x128x128xf32, #tpu.memory_space<vmem>> -> memref<128x128xf32, #tpu.memory_space<vmem>>
      tpu.enqueue_dma source(%dma_start3A_499 : memref<128x128xf32, #tpu.memory_space<vmem>>) target(%dma_start3A_495 : memref<128x128xf32, #tpu.memory_space<hbm>>) target_semaphore(%dma_start3A_493 : memref<!tpu.dma_semaphore, #tpu.memory_space<semaphore_mem>>)
    }
    %scan3A_52 = arith.constant 66 : i32
    %add3A_53 = arith.constant 25088 : i32
    %add3A_54 = arith.addi %mul3A_4, %add3A_53 : i32
    %dma_wait3A = arith.constant 1 : i32
    %dma_wait3A_55 = arith.constant 1 : i32
    %dma_wait3A_56 = arith.constant 0 : i32
    %dma_wait3A_57 = arith.constant 0 : i32
    %dma_wait3A_58 = tpu.memref_slice %arg7[%dma_wait3A, %dma_wait3A_56, %dma_wait3A_57] : memref<3x128x128xf32, #tpu.memory_space<vmem>> -> memref<1x128x128xf32, #tpu.memory_space<vmem>>
    %dma_wait3A_59 = tpu.memref_squeeze %dma_wait3A_58 : memref<1x128x128xf32, #tpu.memory_space<vmem>> -> memref<128x128xf32, #tpu.memory_space<vmem>>
    %dma_wait3A_60 = arith.constant 0 : i32
    %dma_wait3A_61 = tpu.memref_slice %arg5[%add3A_54, %dma_wait3A_60] : memref<819200x128xf32, #tpu.memory_space<hbm>> -> memref<128x128xf32, #tpu.memory_space<hbm>>
    %dma_wait3A_62 = tpu.memref_slice %arg10[%dma_wait3A_55] : memref<3x!tpu.dma_semaphore, #tpu.memory_space<semaphore_mem>> -> memref<1x!tpu.dma_semaphore, #tpu.memory_space<semaphore_mem>>
    %dma_wait3A_63 = tpu.memref_squeeze %dma_wait3A_62 : memref<1x!tpu.dma_semaphore, #tpu.memory_space<semaphore_mem>> -> memref<!tpu.dma_semaphore, #tpu.memory_space<semaphore_mem>>
    %dma_wait3A_64 = arith.constant 0 : i32
    %dma_wait3A_65 = tpu.memref_slice %arg5[%add3A_54, %dma_wait3A_64] : memref<819200x128xf32, #tpu.memory_space<hbm>> -> memref<128x128xf32, #tpu.memory_space<hbm>>
    %dma_wait3A_66 = arith.constant 0 : i32
    %dma_wait3A_67 = arith.constant 0 : i32
    %dma_wait3A_68 = tpu.memref_slice %arg7[%dma_wait3A, %dma_wait3A_66, %dma_wait3A_67] : memref<3x128x128xf32, #tpu.memory_space<vmem>> -> memref<1x128x128xf32, #tpu.memory_space<vmem>>
    %dma_wait3A_69 = tpu.memref_squeeze %dma_wait3A_68 : memref<1x128x128xf32, #tpu.memory_space<vmem>> -> memref<128x128xf32, #tpu.memory_space<vmem>>
    tpu.wait_dma2 semaphore(%dma_wait3A_63 : memref<!tpu.dma_semaphore, #tpu.memory_space<semaphore_mem>>) src(%dma_wait3A_69 : memref<128x128xf32, #tpu.memory_space<vmem>>) dst(%dma_wait3A_65 : memref<128x128xf32, #tpu.memory_space<hbm>>)
    %dma_start3A_70 = arith.constant 199 : i32
    %dma_start3A_71 = arith.constant 1 : i32
    %dma_start3A_72 = arith.constant 1 : i32
    %dma_start3A_73 = arith.constant 0 : i32
    %dma_start3A_74 = arith.constant 0 : i32
    %dma_start3A_75 = tpu.memref_slice %arg8[%dma_start3A_71, %dma_start3A_73, %dma_start3A_74] : memref<3x128x128xf32, #tpu.memory_space<vmem>> -> memref<1x128x128xf32, #tpu.memory_space<vmem>>
    %dma_start3A_76 = tpu.memref_squeeze %dma_start3A_75 : memref<1x128x128xf32, #tpu.memory_space<vmem>> -> memref<128x128xf32, #tpu.memory_space<vmem>>
    %dma_start3A_77 = arith.constant 0 : i32
    %dma_start3A_78 = tpu.memref_slice %arg6[%dma_start3A_70, %dma_start3A_77] : memref<200x128xi32, #tpu.memory_space<vmem>> -> memref<1x128xi32, #tpu.memory_space<vmem>>
    %dma_start3A_79 = tpu.memref_squeeze %dma_start3A_78 : memref<1x128xi32, #tpu.memory_space<vmem>> -> memref<128xi32, #tpu.memory_space<vmem>>
    %dma_start3A_80 = arith.constant 0 : i32
    %dma_start3A_81 = arith.constant 0 : i32
    %dma_start3A_82 = tpu.memref_slice %arg4[%rem3A_5, %dma_start3A_80, %dma_start3A_81] : memref<8x1000x128xf32, #tpu.memory_space<hbm>> -> memref<1x1000x128xf32, #tpu.memory_space<hbm>>
    %dma_start3A_83 = tpu.memref_squeeze %dma_start3A_82 : memref<1x1000x128xf32, #tpu.memory_space<hbm>> -> memref<1000x128xf32, #tpu.memory_space<hbm>>
    %dma_start3A_84 = arith.constant 0 : i32
    %dma_start3A_85 = arith.constant 0 : i32
    %dma_start3A_86 = tpu.memref_slice %dma_start3A_83[%dma_start3A_84, %dma_start3A_85] : memref<1000x128xf32, #tpu.memory_space<hbm>> -> memref<1000x128xf32, #tpu.memory_space<hbm>>
    %dma_start3A_87 = tpu.memref_slice %arg9[%dma_start3A_72] : memref<3x!tpu.dma_semaphore, #tpu.memory_space<semaphore_mem>> -> memref<1x!tpu.dma_semaphore, #tpu.memory_space<semaphore_mem>>
    %dma_start3A_88 = tpu.memref_squeeze %dma_start3A_87 : memref<1x!tpu.dma_semaphore, #tpu.memory_space<semaphore_mem>> -> memref<!tpu.dma_semaphore, #tpu.memory_space<semaphore_mem>>
    tpu.enqueue_indirect_dma source(%dma_start3A_86 : memref<1000x128xf32, #tpu.memory_space<hbm>>) target(%dma_start3A_76 : memref<128x128xf32, #tpu.memory_space<vmem>>) offsets(%dma_start3A_79 : memref<128xi32, #tpu.memory_space<vmem>>) semaphore(%dma_start3A_88 : memref<!tpu.dma_semaphore, #tpu.memory_space<semaphore_mem>>)
    %add3A_89 = arith.constant 25472 : i32
    %add3A_90 = arith.addi %mul3A_4, %add3A_89 : i32
    %dma_start3A_91 = arith.constant 1 : i32
    %dma_start3A_92 = arith.constant 1 : i32
    %dma_start3A_93 = arith.constant 0 : i32
    %dma_start3A_94 = arith.constant 0 : i32
    %dma_start3A_95 = tpu.memref_slice %arg7[%dma_start3A_91, %dma_start3A_93, %dma_start3A_94] : memref<3x128x128xf32, #tpu.memory_space<vmem>> -> memref<1x128x128xf32, #tpu.memory_space<vmem>>
    %dma_start3A_96 = tpu.memref_squeeze %dma_start3A_95 : memref<1x128x128xf32, #tpu.memory_space<vmem>> -> memref<128x128xf32, #tpu.memory_space<vmem>>
    %dma_start3A_97 = arith.constant 0 : i32
    %dma_start3A_98 = tpu.memref_slice %arg2[%add3A_90, %dma_start3A_97] : memref<819200x128xf32, #tpu.memory_space<hbm>> -> memref<128x128xf32, #tpu.memory_space<hbm>>
    %dma_start3A_99 = tpu.memref_slice %arg9[%dma_start3A_92] : memref<3x!tpu.dma_semaphore, #tpu.memory_space<semaphore_mem>> -> memref<1x!tpu.dma_semaphore, #tpu.memory_space<semaphore_mem>>
    %dma_start3A_100 = tpu.memref_squeeze %dma_start3A_99 : memref<1x!tpu.dma_semaphore, #tpu.memory_space<semaphore_mem>> -> memref<!tpu.dma_semaphore, #tpu.memory_space<semaphore_mem>>
    %dma_start3A_101 = arith.constant 0 : i32
    %dma_start3A_102 = arith.constant 0 : i32
    %dma_start3A_103 = tpu.memref_slice %arg7[%dma_start3A_91, %dma_start3A_101, %dma_start3A_102] : memref<3x128x128xf32, #tpu.memory_space<vmem>> -> memref<1x128x128xf32, #tpu.memory_space<vmem>>
    %dma_start3A_104 = tpu.memref_squeeze %dma_start3A_103 : memref<1x128x128xf32, #tpu.memory_space<vmem>> -> memref<128x128xf32, #tpu.memory_space<vmem>>
    %dma_start3A_105 = arith.constant 0 : i32
    %dma_start3A_106 = tpu.memref_slice %arg2[%add3A_90, %dma_start3A_105] : memref<819200x128xf32, #tpu.memory_space<hbm>> -> memref<128x128xf32, #tpu.memory_space<hbm>>
    tpu.enqueue_dma source(%dma_start3A_106 : memref<128x128xf32, #tpu.memory_space<hbm>>) target(%dma_start3A_104 : memref<128x128xf32, #tpu.memory_space<vmem>>) target_semaphore(%dma_start3A_100 : memref<!tpu.dma_semaphore, #tpu.memory_space<semaphore_mem>>)
    %dma_wait3A_107 = arith.constant 198 : i32
    %dma_wait3A_108 = arith.constant 0 : i32
    %dma_wait3A_109 = arith.constant 0 : i32
    %dma_wait3A_110 = arith.constant 0 : i32
    %dma_wait3A_111 = arith.constant 0 : i32
    %dma_wait3A_112 = tpu.memref_slice %arg8[%dma_wait3A_108, %dma_wait3A_110, %dma_wait3A_111] : memref<3x128x128xf32, #tpu.memory_space<vmem>> -> memref<1x128x128xf32, #tpu.memory_space<vmem>>
    %dma_wait3A_113 = tpu.memref_squeeze %dma_wait3A_112 : memref<1x128x128xf32, #tpu.memory_space<vmem>> -> memref<128x128xf32, #tpu.memory_space<vmem>>
    %dma_wait3A_114 = arith.constant 0 : i32
    %dma_wait3A_115 = tpu.memref_slice %arg6[%dma_wait3A_107, %dma_wait3A_114] : memref<200x128xi32, #tpu.memory_space<vmem>> -> memref<1x128xi32, #tpu.memory_space<vmem>>
    %dma_wait3A_116 = tpu.memref_squeeze %dma_wait3A_115 : memref<1x128xi32, #tpu.memory_space<vmem>> -> memref<128xi32, #tpu.memory_space<vmem>>
    %dma_wait3A_117 = arith.constant 0 : i32
    %dma_wait3A_118 = arith.constant 0 : i32
    %dma_wait3A_119 = tpu.memref_slice %arg4[%rem3A_5, %dma_wait3A_117, %dma_wait3A_118] : memref<8x1000x128xf32, #tpu.memory_space<hbm>> -> memref<1x1000x128xf32, #tpu.memory_space<hbm>>
    %dma_wait3A_120 = tpu.memref_squeeze %dma_wait3A_119 : memref<1x1000x128xf32, #tpu.memory_space<hbm>> -> memref<1000x128xf32, #tpu.memory_space<hbm>>
    %dma_wait3A_121 = arith.constant 0 : i32
    %dma_wait3A_122 = arith.constant 0 : i32
    %dma_wait3A_123 = tpu.memref_slice %dma_wait3A_120[%dma_wait3A_121, %dma_wait3A_122] : memref<1000x128xf32, #tpu.memory_space<hbm>> -> memref<1000x128xf32, #tpu.memory_space<hbm>>
    %dma_wait3A_124 = tpu.memref_slice %arg9[%dma_wait3A_109] : memref<3x!tpu.dma_semaphore, #tpu.memory_space<semaphore_mem>> -> memref<1x!tpu.dma_semaphore, #tpu.memory_space<semaphore_mem>>
    %dma_wait3A_125 = tpu.memref_squeeze %dma_wait3A_124 : memref<1x!tpu.dma_semaphore, #tpu.memory_space<semaphore_mem>> -> memref<!tpu.dma_semaphore, #tpu.memory_space<semaphore_mem>>
    tpu.wait_indirect_dma semaphore(%dma_wait3A_125 : memref<!tpu.dma_semaphore, #tpu.memory_space<semaphore_mem>>) src(%dma_wait3A_123 : memref<1000x128xf32, #tpu.memory_space<hbm>>) dst(%dma_wait3A_113 : memref<128x128xf32, #tpu.memory_space<vmem>>)
    %add3A_126 = arith.constant 25344 : i32
    %add3A_127 = arith.addi %mul3A_4, %add3A_126 : i32
    %dma_wait3A_128 = arith.constant 0 : i32
    %dma_wait3A_129 = arith.constant 0 : i32
    %dma_wait3A_130 = arith.constant 0 : i32
    %dma_wait3A_131 = arith.constant 0 : i32
    %dma_wait3A_132 = tpu.memref_slice %arg7[%dma_wait3A_128, %dma_wait3A_130, %dma_wait3A_131] : memref<3x128x128xf32, #tpu.memory_space<vmem>> -> memref<1x128x128xf32, #tpu.memory_space<vmem>>
    %dma_wait3A_133 = tpu.memref_squeeze %dma_wait3A_132 : memref<1x128x128xf32, #tpu.memory_space<vmem>> -> memref<128x128xf32, #tpu.memory_space<vmem>>
    %dma_wait3A_134 = arith.constant 0 : i32
    %dma_wait3A_135 = tpu.memref_slice %arg2[%add3A_127, %dma_wait3A_134] : memref<819200x128xf32, #tpu.memory_space<hbm>> -> memref<128x128xf32, #tpu.memory_space<hbm>>
    %dma_wait3A_136 = tpu.memref_slice %arg9[%dma_wait3A_129] : memref<3x!tpu.dma_semaphore, #tpu.memory_space<semaphore_mem>> -> memref<1x!tpu.dma_semaphore, #tpu.memory_space<semaphore_mem>>
    %dma_wait3A_137 = tpu.memref_squeeze %dma_wait3A_136 : memref<1x!tpu.dma_semaphore, #tpu.memory_space<semaphore_mem>> -> memref<!tpu.dma_semaphore, #tpu.memory_space<semaphore_mem>>
    %dma_wait3A_138 = arith.constant 0 : i32
    %dma_wait3A_139 = arith.constant 0 : i32
    %dma_wait3A_140 = tpu.memref_slice %arg7[%dma_wait3A_128, %dma_wait3A_138, %dma_wait3A_139] : memref<3x128x128xf32, #tpu.memory_space<vmem>> -> memref<1x128x128xf32, #tpu.memory_space<vmem>>
    %dma_wait3A_141 = tpu.memref_squeeze %dma_wait3A_140 : memref<1x128x128xf32, #tpu.memory_space<vmem>> -> memref<128x128xf32, #tpu.memory_space<vmem>>
    %dma_wait3A_142 = arith.constant 0 : i32
    %dma_wait3A_143 = tpu.memref_slice %arg2[%add3A_127, %dma_wait3A_142] : memref<819200x128xf32, #tpu.memory_space<hbm>> -> memref<128x128xf32, #tpu.memory_space<hbm>>
    tpu.wait_dma2 semaphore(%dma_wait3A_137 : memref<!tpu.dma_semaphore, #tpu.memory_space<semaphore_mem>>) src(%dma_wait3A_143 : memref<128x128xf32, #tpu.memory_space<hbm>>) dst(%dma_wait3A_141 : memref<128x128xf32, #tpu.memory_space<vmem>>)
    %scan3A_144 = arith.constant 0 : i32
    %scan3A_145 = arith.constant 0 : i32
    %scan3A_146 = arith.constant 128 : i32
    %scan3A_147 = arith.addi %scan3A_145, %scan3A_146 : i32
    %scan3A_148 = arith.constant 1 : i32
    scf.for %scan3A_283 = %scan3A_145 to %scan3A_147 step %scan3A_148  : i32 {
      %get3A = arith.constant 0 : i32
      %get3A_284 = arith.index_cast %get3A : i32 to index
      %get3A_285 = arith.index_cast %scan3A_283 : i32 to index
      %get3A_286 = arith.constant 0 : index
      %get3A_287 = tpu.vector_load %arg7[%get3A_284, %get3A_285, %get3A_286] {strides = array<i32>} : memref<3x128x128xf32, #tpu.memory_space<vmem>>, vector<1x1x16xf32>,
      %get3A_288 = vector.shape_cast %get3A_287 : vector<1x1x16xf32> to vector<16xf32>
      %get3A_289 = arith.constant 0 : i32
      %get3A_290 = arith.index_cast %get3A_289 : i32 to index
      %get3A_291 = arith.index_cast %scan3A_283 : i32 to index
      %get3A_292 = arith.constant 0 : index
      %get3A_293 = tpu.vector_load %arg8[%get3A_290, %get3A_291, %get3A_292] {strides = array<i32>} : memref<3x128x128xf32, #tpu.memory_space<vmem>>, vector<1x1x16xf32>,
      %get3A_294 = vector.shape_cast %get3A_293 : vector<1x1x16xf32> to vector<16xf32>
      %add3A_295 = arith.addf %get3A_288, %get3A_294 : vector<16xf32>
      %swap3A = arith.constant 0 : i32
      %swap3A_296 = arith.index_cast %swap3A : i32 to index
      %swap3A_297 = arith.index_cast %scan3A_283 : i32 to index
      %swap3A_298 = arith.constant 0 : index
      %swap3A_299 = tpu.vector_load %arg7[%swap3A_296, %swap3A_297, %swap3A_298] {strides = array<i32>} : memref<3x128x128xf32, #tpu.memory_space<vmem>>, vector<1x1x16xf32>,
      %swap3A_300 = vector.shape_cast %swap3A_299 : vector<1x1x16xf32> to vector<16xf32>
      %swap3A_301 = vector.shape_cast %add3A_295 : vector<16xf32> to vector<1x1x16xf32>
      tpu.vector_store %arg7[%swap3A_296, %swap3A_297, %swap3A_298], %swap3A_301 {strides = array<i32>} : memref<3x128x128xf32, #tpu.memory_space<vmem>>, vector<1x1x16xf32>,
      %get3A_302 = arith.constant 0 : i32
      %get3A_303 = arith.index_cast %get3A_302 : i32 to index
      %get3A_304 = arith.index_cast %scan3A_283 : i32 to index
      %get3A_305 = arith.constant 16 : index
      %get3A_306 = tpu.vector_load %arg7[%get3A_303, %get3A_304, %get3A_305] {strides = array<i32>} : memref<3x128x128xf32, #tpu.memory_space<vmem>>, vector<1x1x16xf32>,
      %get3A_307 = vector.shape_cast %get3A_306 : vector<1x1x16xf32> to vector<16xf32>
      %get3A_308 = arith.constant 0 : i32
      %get3A_309 = arith.index_cast %get3A_308 : i32 to index
      %get3A_310 = arith.index_cast %scan3A_283 : i32 to index
      %get3A_311 = arith.constant 16 : index
      %get3A_312 = tpu.vector_load %arg8[%get3A_309, %get3A_310, %get3A_311] {strides = array<i32>} : memref<3x128x128xf32, #tpu.memory_space<vmem>>, vector<1x1x16xf32>,
      %get3A_313 = vector.shape_cast %get3A_312 : vector<1x1x16xf32> to vector<16xf32>
      %add3A_314 = arith.addf %get3A_307, %get3A_313 : vector<16xf32>
      %swap3A_315 = arith.constant 0 : i32
      %swap3A_316 = arith.index_cast %swap3A_315 : i32 to index
      %swap3A_317 = arith.index_cast %scan3A_283 : i32 to index
      %swap3A_318 = arith.constant 16 : index
      %swap3A_319 = tpu.vector_load %arg7[%swap3A_316, %swap3A_317, %swap3A_318] {strides = array<i32>} : memref<3x128x128xf32, #tpu.memory_space<vmem>>, vector<1x1x16xf32>,
      %swap3A_320 = vector.shape_cast %swap3A_319 : vector<1x1x16xf32> to vector<16xf32>
      %swap3A_321 = vector.shape_cast %add3A_314 : vector<16xf32> to vector<1x1x16xf32>
      tpu.vector_store %arg7[%swap3A_316, %swap3A_317, %swap3A_318], %swap3A_321 {strides = array<i32>} : memref<3x128x128xf32, #tpu.memory_space<vmem>>, vector<1x1x16xf32>,
      %get3A_322 = arith.constant 0 : i32
      %get3A_323 = arith.index_cast %get3A_322 : i32 to index
      %get3A_324 = arith.index_cast %scan3A_283 : i32 to index
      %get3A_325 = arith.constant 32 : index
      %get3A_326 = tpu.vector_load %arg7[%get3A_323, %get3A_324, %get3A_325] {strides = array<i32>} : memref<3x128x128xf32, #tpu.memory_space<vmem>>, vector<1x1x16xf32>,
      %get3A_327 = vector.shape_cast %get3A_326 : vector<1x1x16xf32> to vector<16xf32>
      %get3A_328 = arith.constant 0 : i32
      %get3A_329 = arith.index_cast %get3A_328 : i32 to index
      %get3A_330 = arith.index_cast %scan3A_283 : i32 to index
      %get3A_331 = arith.constant 32 : index
      %get3A_332 = tpu.vector_load %arg8[%get3A_329, %get3A_330, %get3A_331] {strides = array<i32>} : memref<3x128x128xf32, #tpu.memory_space<vmem>>, vector<1x1x16xf32>,
      %get3A_333 = vector.shape_cast %get3A_332 : vector<1x1x16xf32> to vector<16xf32>
      %add3A_334 = arith.addf %get3A_327, %get3A_333 : vector<16xf32>
      %swap3A_335 = arith.constant 0 : i32
      %swap3A_336 = arith.index_cast %swap3A_335 : i32 to index
      %swap3A_337 = arith.index_cast %scan3A_283 : i32 to index
      %swap3A_338 = arith.constant 32 : index
      %swap3A_339 = tpu.vector_load %arg7[%swap3A_336, %swap3A_337, %swap3A_338] {strides = array<i32>} : memref<3x128x128xf32, #tpu.memory_space<vmem>>, vector<1x1x16xf32>,
      %swap3A_340 = vector.shape_cast %swap3A_339 : vector<1x1x16xf32> to vector<16xf32>
      %swap3A_341 = vector.shape_cast %add3A_334 : vector<16xf32> to vector<1x1x16xf32>
      tpu.vector_store %arg7[%swap3A_336, %swap3A_337, %swap3A_338], %swap3A_341 {strides = array<i32>} : memref<3x128x128xf32, #tpu.memory_space<vmem>>, vector<1x1x16xf32>,
      %get3A_342 = arith.constant 0 : i32
      %get3A_343 = arith.index_cast %get3A_342 : i32 to index
      %get3A_344 = arith.index_cast %scan3A_283 : i32 to index
      %get3A_345 = arith.constant 48 : index
      %get3A_346 = tpu.vector_load %arg7[%get3A_343, %get3A_344, %get3A_345] {strides = array<i32>} : memref<3x128x128xf32, #tpu.memory_space<vmem>>, vector<1x1x16xf32>,
      %get3A_347 = vector.shape_cast %get3A_346 : vector<1x1x16xf32> to vector<16xf32>
      %get3A_348 = arith.constant 0 : i32
      %get3A_349 = arith.index_cast %get3A_348 : i32 to index
      %get3A_350 = arith.index_cast %scan3A_283 : i32 to index
      %get3A_351 = arith.constant 48 : index
      %get3A_352 = tpu.vector_load %arg8[%get3A_349, %get3A_350, %get3A_351] {strides = array<i32>} : memref<3x128x128xf32, #tpu.memory_space<vmem>>, vector<1x1x16xf32>,
      %get3A_353 = vector.shape_cast %get3A_352 : vector<1x1x16xf32> to vector<16xf32>
      %add3A_354 = arith.addf %get3A_347, %get3A_353 : vector<16xf32>
      %swap3A_355 = arith.constant 0 : i32
      %swap3A_356 = arith.index_cast %swap3A_355 : i32 to index
      %swap3A_357 = arith.index_cast %scan3A_283 : i32 to index
      %swap3A_358 = arith.constant 48 : index
      %swap3A_359 = tpu.vector_load %arg7[%swap3A_356, %swap3A_357, %swap3A_358] {strides = array<i32>} : memref<3x128x128xf32, #tpu.memory_space<vmem>>, vector<1x1x16xf32>,
      %swap3A_360 = vector.shape_cast %swap3A_359 : vector<1x1x16xf32> to vector<16xf32>
      %swap3A_361 = vector.shape_cast %add3A_354 : vector<16xf32> to vector<1x1x16xf32>
      tpu.vector_store %arg7[%swap3A_356, %swap3A_357, %swap3A_358], %swap3A_361 {strides = array<i32>} : memref<3x128x128xf32, #tpu.memory_space<vmem>>, vector<1x1x16xf32>,
      %get3A_362 = arith.constant 0 : i32
      %get3A_363 = arith.index_cast %get3A_362 : i32 to index
      %get3A_364 = arith.index_cast %scan3A_283 : i32 to index
      %get3A_365 = arith.constant 64 : index
      %get3A_366 = tpu.vector_load %arg7[%get3A_363, %get3A_364, %get3A_365] {strides = array<i32>} : memref<3x128x128xf32, #tpu.memory_space<vmem>>, vector<1x1x16xf32>,
      %get3A_367 = vector.shape_cast %get3A_366 : vector<1x1x16xf32> to vector<16xf32>
      %get3A_368 = arith.constant 0 : i32
      %get3A_369 = arith.index_cast %get3A_368 : i32 to index
      %get3A_370 = arith.index_cast %scan3A_283 : i32 to index
      %get3A_371 = arith.constant 64 : index
      %get3A_372 = tpu.vector_load %arg8[%get3A_369, %get3A_370, %get3A_371] {strides = array<i32>} : memref<3x128x128xf32, #tpu.memory_space<vmem>>, vector<1x1x16xf32>,
      %get3A_373 = vector.shape_cast %get3A_372 : vector<1x1x16xf32> to vector<16xf32>
      %add3A_374 = arith.addf %get3A_367, %get3A_373 : vector<16xf32>
      %swap3A_375 = arith.constant 0 : i32
      %swap3A_376 = arith.index_cast %swap3A_375 : i32 to index
      %swap3A_377 = arith.index_cast %scan3A_283 : i32 to index
      %swap3A_378 = arith.constant 64 : index
      %swap3A_379 = tpu.vector_load %arg7[%swap3A_376, %swap3A_377, %swap3A_378] {strides = array<i32>} : memref<3x128x128xf32, #tpu.memory_space<vmem>>, vector<1x1x16xf32>,
      %swap3A_380 = vector.shape_cast %swap3A_379 : vector<1x1x16xf32> to vector<16xf32>
      %swap3A_381 = vector.shape_cast %add3A_374 : vector<16xf32> to vector<1x1x16xf32>
      tpu.vector_store %arg7[%swap3A_376, %swap3A_377, %swap3A_378], %swap3A_381 {strides = array<i32>} : memref<3x128x128xf32, #tpu.memory_space<vmem>>, vector<1x1x16xf32>,
      %get3A_382 = arith.constant 0 : i32
      %get3A_383 = arith.index_cast %get3A_382 : i32 to index
      %get3A_384 = arith.index_cast %scan3A_283 : i32 to index
      %get3A_385 = arith.constant 80 : index
      %get3A_386 = tpu.vector_load %arg7[%get3A_383, %get3A_384, %get3A_385] {strides = array<i32>} : memref<3x128x128xf32, #tpu.memory_space<vmem>>, vector<1x1x16xf32>,
      %get3A_387 = vector.shape_cast %get3A_386 : vector<1x1x16xf32> to vector<16xf32>
      %get3A_388 = arith.constant 0 : i32
      %get3A_389 = arith.index_cast %get3A_388 : i32 to index
      %get3A_390 = arith.index_cast %scan3A_283 : i32 to index
      %get3A_391 = arith.constant 80 : index
      %get3A_392 = tpu.vector_load %arg8[%get3A_389, %get3A_390, %get3A_391] {strides = array<i32>} : memref<3x128x128xf32, #tpu.memory_space<vmem>>, vector<1x1x16xf32>,
      %get3A_393 = vector.shape_cast %get3A_392 : vector<1x1x16xf32> to vector<16xf32>
      %add3A_394 = arith.addf %get3A_387, %get3A_393 : vector<16xf32>
      %swap3A_395 = arith.constant 0 : i32
      %swap3A_396 = arith.index_cast %swap3A_395 : i32 to index
      %swap3A_397 = arith.index_cast %scan3A_283 : i32 to index
      %swap3A_398 = arith.constant 80 : index
      %swap3A_399 = tpu.vector_load %arg7[%swap3A_396, %swap3A_397, %swap3A_398] {strides = array<i32>} : memref<3x128x128xf32, #tpu.memory_space<vmem>>, vector<1x1x16xf32>,
      %swap3A_400 = vector.shape_cast %swap3A_399 : vector<1x1x16xf32> to vector<16xf32>
      %swap3A_401 = vector.shape_cast %add3A_394 : vector<16xf32> to vector<1x1x16xf32>
      tpu.vector_store %arg7[%swap3A_396, %swap3A_397, %swap3A_398], %swap3A_401 {strides = array<i32>} : memref<3x128x128xf32, #tpu.memory_space<vmem>>, vector<1x1x16xf32>,
      %get3A_402 = arith.constant 0 : i32
      %get3A_403 = arith.index_cast %get3A_402 : i32 to index
      %get3A_404 = arith.index_cast %scan3A_283 : i32 to index
      %get3A_405 = arith.constant 96 : index
      %get3A_406 = tpu.vector_load %arg7[%get3A_403, %get3A_404, %get3A_405] {strides = array<i32>} : memref<3x128x128xf32, #tpu.memory_space<vmem>>, vector<1x1x16xf32>,
      %get3A_407 = vector.shape_cast %get3A_406 : vector<1x1x16xf32> to vector<16xf32>
      %get3A_408 = arith.constant 0 : i32
      %get3A_409 = arith.index_cast %get3A_408 : i32 to index
      %get3A_410 = arith.index_cast %scan3A_283 : i32 to index
      %get3A_411 = arith.constant 96 : index
      %get3A_412 = tpu.vector_load %arg8[%get3A_409, %get3A_410, %get3A_411] {strides = array<i32>} : memref<3x128x128xf32, #tpu.memory_space<vmem>>, vector<1x1x16xf32>,
      %get3A_413 = vector.shape_cast %get3A_412 : vector<1x1x16xf32> to vector<16xf32>
      %add3A_414 = arith.addf %get3A_407, %get3A_413 : vector<16xf32>
      %swap3A_415 = arith.constant 0 : i32
      %swap3A_416 = arith.index_cast %swap3A_415 : i32 to index
      %swap3A_417 = arith.index_cast %scan3A_283 : i32 to index
      %swap3A_418 = arith.constant 96 : index
      %swap3A_419 = tpu.vector_load %arg7[%swap3A_416, %swap3A_417, %swap3A_418] {strides = array<i32>} : memref<3x128x128xf32, #tpu.memory_space<vmem>>, vector<1x1x16xf32>,
      %swap3A_420 = vector.shape_cast %swap3A_419 : vector<1x1x16xf32> to vector<16xf32>
      %swap3A_421 = vector.shape_cast %add3A_414 : vector<16xf32> to vector<1x1x16xf32>
      tpu.vector_store %arg7[%swap3A_416, %swap3A_417, %swap3A_418], %swap3A_421 {strides = array<i32>} : memref<3x128x128xf32, #tpu.memory_space<vmem>>, vector<1x1x16xf32>,
      %get3A_422 = arith.constant 0 : i32
      %get3A_423 = arith.index_cast %get3A_422 : i32 to index
      %get3A_424 = arith.index_cast %scan3A_283 : i32 to index
      %get3A_425 = arith.constant 112 : index
      %get3A_426 = tpu.vector_load %arg7[%get3A_423, %get3A_424, %get3A_425] {strides = array<i32>} : memref<3x128x128xf32, #tpu.memory_space<vmem>>, vector<1x1x16xf32>,
      %get3A_427 = vector.shape_cast %get3A_426 : vector<1x1x16xf32> to vector<16xf32>
      %get3A_428 = arith.constant 0 : i32
      %get3A_429 = arith.index_cast %get3A_428 : i32 to index
      %get3A_430 = arith.index_cast %scan3A_283 : i32 to index
      %get3A_431 = arith.constant 112 : index
      %get3A_432 = tpu.vector_load %arg8[%get3A_429, %get3A_430, %get3A_431] {strides = array<i32>} : memref<3x128x128xf32, #tpu.memory_space<vmem>>, vector<1x1x16xf32>,
      %get3A_433 = vector.shape_cast %get3A_432 : vector<1x1x16xf32> to vector<16xf32>
      %add3A_434 = arith.addf %get3A_427, %get3A_433 : vector<16xf32>
      %swap3A_435 = arith.constant 0 : i32
      %swap3A_436 = arith.index_cast %swap3A_435 : i32 to index
      %swap3A_437 = arith.index_cast %scan3A_283 : i32 to index
      %swap3A_438 = arith.constant 112 : index
      %swap3A_439 = tpu.vector_load %arg7[%swap3A_436, %swap3A_437, %swap3A_438] {strides = array<i32>} : memref<3x128x128xf32, #tpu.memory_space<vmem>>, vector<1x1x16xf32>,
      %swap3A_440 = vector.shape_cast %swap3A_439 : vector<1x1x16xf32> to vector<16xf32>
      %swap3A_441 = vector.shape_cast %add3A_434 : vector<16xf32> to vector<1x1x16xf32>
      tpu.vector_store %arg7[%swap3A_436, %swap3A_437, %swap3A_438], %swap3A_441 {strides = array<i32>} : memref<3x128x128xf32, #tpu.memory_space<vmem>>, vector<1x1x16xf32>,
    }
    %scan3A_149 = arith.constant 128 : i32
    %add3A_150 = arith.constant 25344 : i32
    %add3A_151 = arith.addi %mul3A_4, %add3A_150 : i32
    %dma_start3A_152 = arith.constant 0 : i32
    %dma_start3A_153 = arith.constant 0 : i32
    %dma_start3A_154 = arith.constant 0 : i32
    %dma_start3A_155 = arith.constant 0 : i32
    %dma_start3A_156 = tpu.memref_slice %arg7[%dma_start3A_152, %dma_start3A_154, %dma_start3A_155] : memref<3x128x128xf32, #tpu.memory_space<vmem>> -> memref<1x128x128xf32, #tpu.memory_space<vmem>>
    %dma_start3A_157 = tpu.memref_squeeze %dma_start3A_156 : memref<1x128x128xf32, #tpu.memory_space<vmem>> -> memref<128x128xf32, #tpu.memory_space<vmem>>
    %dma_start3A_158 = arith.constant 0 : i32
    %dma_start3A_159 = tpu.memref_slice %arg5[%add3A_151, %dma_start3A_158] : memref<819200x128xf32, #tpu.memory_space<hbm>> -> memref<128x128xf32, #tpu.memory_space<hbm>>
    %dma_start3A_160 = tpu.memref_slice %arg10[%dma_start3A_153] : memref<3x!tpu.dma_semaphore, #tpu.memory_space<semaphore_mem>> -> memref<1x!tpu.dma_semaphore, #tpu.memory_space<semaphore_mem>>
    %dma_start3A_161 = tpu.memref_squeeze %dma_start3A_160 : memref<1x!tpu.dma_semaphore, #tpu.memory_space<semaphore_mem>> -> memref<!tpu.dma_semaphore, #tpu.memory_space<semaphore_mem>>
    %dma_start3A_162 = arith.constant 0 : i32
    %dma_start3A_163 = tpu.memref_slice %arg5[%add3A_151, %dma_start3A_162] : memref<819200x128xf32, #tpu.memory_space<hbm>> -> memref<128x128xf32, #tpu.memory_space<hbm>>
    %dma_start3A_164 = arith.constant 0 : i32
    %dma_start3A_165 = arith.constant 0 : i32
    %dma_start3A_166 = tpu.memref_slice %arg7[%dma_start3A_152, %dma_start3A_164, %dma_start3A_165] : memref<3x128x128xf32, #tpu.memory_space<vmem>> -> memref<1x128x128xf32, #tpu.memory_space<vmem>>
    %dma_start3A_167 = tpu.memref_squeeze %dma_start3A_166 : memref<1x128x128xf32, #tpu.memory_space<vmem>> -> memref<128x128xf32, #tpu.memory_space<vmem>>
    tpu.enqueue_dma source(%dma_start3A_167 : memref<128x128xf32, #tpu.memory_space<vmem>>) target(%dma_start3A_163 : memref<128x128xf32, #tpu.memory_space<hbm>>) target_semaphore(%dma_start3A_161 : memref<!tpu.dma_semaphore, #tpu.memory_space<semaphore_mem>>)
    %dma_wait3A_168 = arith.constant 199 : i32
    %dma_wait3A_169 = arith.constant 1 : i32
    %dma_wait3A_170 = arith.constant 1 : i32
    %dma_wait3A_171 = arith.constant 0 : i32
    %dma_wait3A_172 = arith.constant 0 : i32
    %dma_wait3A_173 = tpu.memref_slice %arg8[%dma_wait3A_169, %dma_wait3A_171, %dma_wait3A_172] : memref<3x128x128xf32, #tpu.memory_space<vmem>> -> memref<1x128x128xf32, #tpu.memory_space<vmem>>
    %dma_wait3A_174 = tpu.memref_squeeze %dma_wait3A_173 : memref<1x128x128xf32, #tpu.memory_space<vmem>> -> memref<128x128xf32, #tpu.memory_space<vmem>>
    %dma_wait3A_175 = arith.constant 0 : i32
    %dma_wait3A_176 = tpu.memref_slice %arg6[%dma_wait3A_168, %dma_wait3A_175] : memref<200x128xi32, #tpu.memory_space<vmem>> -> memref<1x128xi32, #tpu.memory_space<vmem>>
    %dma_wait3A_177 = tpu.memref_squeeze %dma_wait3A_176 : memref<1x128xi32, #tpu.memory_space<vmem>> -> memref<128xi32, #tpu.memory_space<vmem>>
    %dma_wait3A_178 = arith.constant 0 : i32
    %dma_wait3A_179 = arith.constant 0 : i32
    %dma_wait3A_180 = tpu.memref_slice %arg4[%rem3A_5, %dma_wait3A_178, %dma_wait3A_179] : memref<8x1000x128xf32, #tpu.memory_space<hbm>> -> memref<1x1000x128xf32, #tpu.memory_space<hbm>>
    %dma_wait3A_181 = tpu.memref_squeeze %dma_wait3A_180 : memref<1x1000x128xf32, #tpu.memory_space<hbm>> -> memref<1000x128xf32, #tpu.memory_space<hbm>>
    %dma_wait3A_182 = arith.constant 0 : i32
    %dma_wait3A_183 = arith.constant 0 : i32
    %dma_wait3A_184 = tpu.memref_slice %dma_wait3A_181[%dma_wait3A_182, %dma_wait3A_183] : memref<1000x128xf32, #tpu.memory_space<hbm>> -> memref<1000x128xf32, #tpu.memory_space<hbm>>
    %dma_wait3A_185 = tpu.memref_slice %arg9[%dma_wait3A_170] : memref<3x!tpu.dma_semaphore, #tpu.memory_space<semaphore_mem>> -> memref<1x!tpu.dma_semaphore, #tpu.memory_space<semaphore_mem>>
    %dma_wait3A_186 = tpu.memref_squeeze %dma_wait3A_185 : memref<1x!tpu.dma_semaphore, #tpu.memory_space<semaphore_mem>> -> memref<!tpu.dma_semaphore, #tpu.memory_space<semaphore_mem>>
    tpu.wait_indirect_dma semaphore(%dma_wait3A_186 : memref<!tpu.dma_semaphore, #tpu.memory_space<semaphore_mem>>) src(%dma_wait3A_184 : memref<1000x128xf32, #tpu.memory_space<hbm>>) dst(%dma_wait3A_174 : memref<128x128xf32, #tpu.memory_space<vmem>>)
    %add3A_187 = arith.constant 25472 : i32
    %add3A_188 = arith.addi %mul3A_4, %add3A_187 : i32
    %dma_wait3A_189 = arith.constant 1 : i32
    %dma_wait3A_190 = arith.constant 1 : i32
    %dma_wait3A_191 = arith.constant 0 : i32
    %dma_wait3A_192 = arith.constant 0 : i32
    %dma_wait3A_193 = tpu.memref_slice %arg7[%dma_wait3A_189, %dma_wait3A_191, %dma_wait3A_192] : memref<3x128x128xf32, #tpu.memory_space<vmem>> -> memref<1x128x128xf32, #tpu.memory_space<vmem>>
    %dma_wait3A_194 = tpu.memref_squeeze %dma_wait3A_193 : memref<1x128x128xf32, #tpu.memory_space<vmem>> -> memref<128x128xf32, #tpu.memory_space<vmem>>
    %dma_wait3A_195 = arith.constant 0 : i32
    %dma_wait3A_196 = tpu.memref_slice %arg2[%add3A_188, %dma_wait3A_195] : memref<819200x128xf32, #tpu.memory_space<hbm>> -> memref<128x128xf32, #tpu.memory_space<hbm>>
    %dma_wait3A_197 = tpu.memref_slice %arg9[%dma_wait3A_190] : memref<3x!tpu.dma_semaphore, #tpu.memory_space<semaphore_mem>> -> memref<1x!tpu.dma_semaphore, #tpu.memory_space<semaphore_mem>>
    %dma_wait3A_198 = tpu.memref_squeeze %dma_wait3A_197 : memref<1x!tpu.dma_semaphore, #tpu.memory_space<semaphore_mem>> -> memref<!tpu.dma_semaphore, #tpu.memory_space<semaphore_mem>>
    %dma_wait3A_199 = arith.constant 0 : i32
    %dma_wait3A_200 = arith.constant 0 : i32
    %dma_wait3A_201 = tpu.memref_slice %arg7[%dma_wait3A_189, %dma_wait3A_199, %dma_wait3A_200] : memref<3x128x128xf32, #tpu.memory_space<vmem>> -> memref<1x128x128xf32, #tpu.memory_space<vmem>>
    %dma_wait3A_202 = tpu.memref_squeeze %dma_wait3A_201 : memref<1x128x128xf32, #tpu.memory_space<vmem>> -> memref<128x128xf32, #tpu.memory_space<vmem>>
    %dma_wait3A_203 = arith.constant 0 : i32
    %dma_wait3A_204 = tpu.memref_slice %arg2[%add3A_188, %dma_wait3A_203] : memref<819200x128xf32, #tpu.memory_space<hbm>> -> memref<128x128xf32, #tpu.memory_space<hbm>>
    tpu.wait_dma2 semaphore(%dma_wait3A_198 : memref<!tpu.dma_semaphore, #tpu.memory_space<semaphore_mem>>) src(%dma_wait3A_204 : memref<128x128xf32, #tpu.memory_space<hbm>>) dst(%dma_wait3A_202 : memref<128x128xf32, #tpu.memory_space<vmem>>)
    %scan3A_205 = arith.constant 0 : i32
    %scan3A_206 = arith.constant 0 : i32
    %scan3A_207 = arith.constant 128 : i32
    %scan3A_208 = arith.addi %scan3A_206, %scan3A_207 : i32
    %scan3A_209 = arith.constant 1 : i32
    scf.for %scan3A_283 = %scan3A_206 to %scan3A_208 step %scan3A_209  : i32 {
      %get3A = arith.constant 1 : i32
      %get3A_284 = arith.index_cast %get3A : i32 to index
      %get3A_285 = arith.index_cast %scan3A_283 : i32 to index
      %get3A_286 = arith.constant 0 : index
      %get3A_287 = tpu.vector_load %arg7[%get3A_284, %get3A_285, %get3A_286] {strides = array<i32>} : memref<3x128x128xf32, #tpu.memory_space<vmem>>, vector<1x1x16xf32>,
      %get3A_288 = vector.shape_cast %get3A_287 : vector<1x1x16xf32> to vector<16xf32>
      %get3A_289 = arith.constant 1 : i32
      %get3A_290 = arith.index_cast %get3A_289 : i32 to index
      %get3A_291 = arith.index_cast %scan3A_283 : i32 to index
      %get3A_292 = arith.constant 0 : index
      %get3A_293 = tpu.vector_load %arg8[%get3A_290, %get3A_291, %get3A_292] {strides = array<i32>} : memref<3x128x128xf32, #tpu.memory_space<vmem>>, vector<1x1x16xf32>,
      %get3A_294 = vector.shape_cast %get3A_293 : vector<1x1x16xf32> to vector<16xf32>
      %add3A_295 = arith.addf %get3A_288, %get3A_294 : vector<16xf32>
      %swap3A = arith.constant 1 : i32
      %swap3A_296 = arith.index_cast %swap3A : i32 to index
      %swap3A_297 = arith.index_cast %scan3A_283 : i32 to index
      %swap3A_298 = arith.constant 0 : index
      %swap3A_299 = tpu.vector_load %arg7[%swap3A_296, %swap3A_297, %swap3A_298] {strides = array<i32>} : memref<3x128x128xf32, #tpu.memory_space<vmem>>, vector<1x1x16xf32>,
      %swap3A_300 = vector.shape_cast %swap3A_299 : vector<1x1x16xf32> to vector<16xf32>
      %swap3A_301 = vector.shape_cast %add3A_295 : vector<16xf32> to vector<1x1x16xf32>
      tpu.vector_store %arg7[%swap3A_296, %swap3A_297, %swap3A_298], %swap3A_301 {strides = array<i32>} : memref<3x128x128xf32, #tpu.memory_space<vmem>>, vector<1x1x16xf32>,
      %get3A_302 = arith.constant 1 : i32
      %get3A_303 = arith.index_cast %get3A_302 : i32 to index
      %get3A_304 = arith.index_cast %scan3A_283 : i32 to index
      %get3A_305 = arith.constant 16 : index
      %get3A_306 = tpu.vector_load %arg7[%get3A_303, %get3A_304, %get3A_305] {strides = array<i32>} : memref<3x128x128xf32, #tpu.memory_space<vmem>>, vector<1x1x16xf32>,
      %get3A_307 = vector.shape_cast %get3A_306 : vector<1x1x16xf32> to vector<16xf32>
      %get3A_308 = arith.constant 1 : i32
      %get3A_309 = arith.index_cast %get3A_308 : i32 to index
      %get3A_310 = arith.index_cast %scan3A_283 : i32 to index
      %get3A_311 = arith.constant 16 : index
      %get3A_312 = tpu.vector_load %arg8[%get3A_309, %get3A_310, %get3A_311] {strides = array<i32>} : memref<3x128x128xf32, #tpu.memory_space<vmem>>, vector<1x1x16xf32>,
      %get3A_313 = vector.shape_cast %get3A_312 : vector<1x1x16xf32> to vector<16xf32>
      %add3A_314 = arith.addf %get3A_307, %get3A_313 : vector<16xf32>
      %swap3A_315 = arith.constant 1 : i32
      %swap3A_316 = arith.index_cast %swap3A_315 : i32 to index
      %swap3A_317 = arith.index_cast %scan3A_283 : i32 to index
      %swap3A_318 = arith.constant 16 : index
      %swap3A_319 = tpu.vector_load %arg7[%swap3A_316, %swap3A_317, %swap3A_318] {strides = array<i32>} : memref<3x128x128xf32, #tpu.memory_space<vmem>>, vector<1x1x16xf32>,
      %swap3A_320 = vector.shape_cast %swap3A_319 : vector<1x1x16xf32> to vector<16xf32>
      %swap3A_321 = vector.shape_cast %add3A_314 : vector<16xf32> to vector<1x1x16xf32>
      tpu.vector_store %arg7[%swap3A_316, %swap3A_317, %swap3A_318], %swap3A_321 {strides = array<i32>} : memref<3x128x128xf32, #tpu.memory_space<vmem>>, vector<1x1x16xf32>,
      %get3A_322 = arith.constant 1 : i32
      %get3A_323 = arith.index_cast %get3A_322 : i32 to index
      %get3A_324 = arith.index_cast %scan3A_283 : i32 to index
      %get3A_325 = arith.constant 32 : index
      %get3A_326 = tpu.vector_load %arg7[%get3A_323, %get3A_324, %get3A_325] {strides = array<i32>} : memref<3x128x128xf32, #tpu.memory_space<vmem>>, vector<1x1x16xf32>,
      %get3A_327 = vector.shape_cast %get3A_326 : vector<1x1x16xf32> to vector<16xf32>
      %get3A_328 = arith.constant 1 : i32
      %get3A_329 = arith.index_cast %get3A_328 : i32 to index
      %get3A_330 = arith.index_cast %scan3A_283 : i32 to index
      %get3A_331 = arith.constant 32 : index
      %get3A_332 = tpu.vector_load %arg8[%get3A_329, %get3A_330, %get3A_331] {strides = array<i32>} : memref<3x128x128xf32, #tpu.memory_space<vmem>>, vector<1x1x16xf32>,
      %get3A_333 = vector.shape_cast %get3A_332 : vector<1x1x16xf32> to vector<16xf32>
      %add3A_334 = arith.addf %get3A_327, %get3A_333 : vector<16xf32>
      %swap3A_335 = arith.constant 1 : i32
      %swap3A_336 = arith.index_cast %swap3A_335 : i32 to index
      %swap3A_337 = arith.index_cast %scan3A_283 : i32 to index
      %swap3A_338 = arith.constant 32 : index
      %swap3A_339 = tpu.vector_load %arg7[%swap3A_336, %swap3A_337, %swap3A_338] {strides = array<i32>} : memref<3x128x128xf32, #tpu.memory_space<vmem>>, vector<1x1x16xf32>,
      %swap3A_340 = vector.shape_cast %swap3A_339 : vector<1x1x16xf32> to vector<16xf32>
      %swap3A_341 = vector.shape_cast %add3A_334 : vector<16xf32> to vector<1x1x16xf32>
      tpu.vector_store %arg7[%swap3A_336, %swap3A_337, %swap3A_338], %swap3A_341 {strides = array<i32>} : memref<3x128x128xf32, #tpu.memory_space<vmem>>, vector<1x1x16xf32>,
      %get3A_342 = arith.constant 1 : i32
      %get3A_343 = arith.index_cast %get3A_342 : i32 to index
      %get3A_344 = arith.index_cast %scan3A_283 : i32 to index
      %get3A_345 = arith.constant 48 : index
      %get3A_346 = tpu.vector_load %arg7[%get3A_343, %get3A_344, %get3A_345] {strides = array<i32>} : memref<3x128x128xf32, #tpu.memory_space<vmem>>, vector<1x1x16xf32>,
      %get3A_347 = vector.shape_cast %get3A_346 : vector<1x1x16xf32> to vector<16xf32>
      %get3A_348 = arith.constant 1 : i32
      %get3A_349 = arith.index_cast %get3A_348 : i32 to index
      %get3A_350 = arith.index_cast %scan3A_283 : i32 to index
      %get3A_351 = arith.constant 48 : index
      %get3A_352 = tpu.vector_load %arg8[%get3A_349, %get3A_350, %get3A_351] {strides = array<i32>} : memref<3x128x128xf32, #tpu.memory_space<vmem>>, vector<1x1x16xf32>,
      %get3A_353 = vector.shape_cast %get3A_352 : vector<1x1x16xf32> to vector<16xf32>
      %add3A_354 = arith.addf %get3A_347, %get3A_353 : vector<16xf32>
      %swap3A_355 = arith.constant 1 : i32
      %swap3A_356 = arith.index_cast %swap3A_355 : i32 to index
      %swap3A_357 = arith.index_cast %scan3A_283 : i32 to index
      %swap3A_358 = arith.constant 48 : index
      %swap3A_359 = tpu.vector_load %arg7[%swap3A_356, %swap3A_357, %swap3A_358] {strides = array<i32>} : memref<3x128x128xf32, #tpu.memory_space<vmem>>, vector<1x1x16xf32>,
      %swap3A_360 = vector.shape_cast %swap3A_359 : vector<1x1x16xf32> to vector<16xf32>
      %swap3A_361 = vector.shape_cast %add3A_354 : vector<16xf32> to vector<1x1x16xf32>
      tpu.vector_store %arg7[%swap3A_356, %swap3A_357, %swap3A_358], %swap3A_361 {strides = array<i32>} : memref<3x128x128xf32, #tpu.memory_space<vmem>>, vector<1x1x16xf32>,
      %get3A_362 = arith.constant 1 : i32
      %get3A_363 = arith.index_cast %get3A_362 : i32 to index
      %get3A_364 = arith.index_cast %scan3A_283 : i32 to index
      %get3A_365 = arith.constant 64 : index
      %get3A_366 = tpu.vector_load %arg7[%get3A_363, %get3A_364, %get3A_365] {strides = array<i32>} : memref<3x128x128xf32, #tpu.memory_space<vmem>>, vector<1x1x16xf32>,
      %get3A_367 = vector.shape_cast %get3A_366 : vector<1x1x16xf32> to vector<16xf32>
      %get3A_368 = arith.constant 1 : i32
      %get3A_369 = arith.index_cast %get3A_368 : i32 to index
      %get3A_370 = arith.index_cast %scan3A_283 : i32 to index
      %get3A_371 = arith.constant 64 : index
      %get3A_372 = tpu.vector_load %arg8[%get3A_369, %get3A_370, %get3A_371] {strides = array<i32>} : memref<3x128x128xf32, #tpu.memory_space<vmem>>, vector<1x1x16xf32>,
      %get3A_373 = vector.shape_cast %get3A_372 : vector<1x1x16xf32> to vector<16xf32>
      %add3A_374 = arith.addf %get3A_367, %get3A_373 : vector<16xf32>
      %swap3A_375 = arith.constant 1 : i32
      %swap3A_376 = arith.index_cast %swap3A_375 : i32 to index
      %swap3A_377 = arith.index_cast %scan3A_283 : i32 to index
      %swap3A_378 = arith.constant 64 : index
      %swap3A_379 = tpu.vector_load %arg7[%swap3A_376, %swap3A_377, %swap3A_378] {strides = array<i32>} : memref<3x128x128xf32, #tpu.memory_space<vmem>>, vector<1x1x16xf32>,
      %swap3A_380 = vector.shape_cast %swap3A_379 : vector<1x1x16xf32> to vector<16xf32>
      %swap3A_381 = vector.shape_cast %add3A_374 : vector<16xf32> to vector<1x1x16xf32>
      tpu.vector_store %arg7[%swap3A_376, %swap3A_377, %swap3A_378], %swap3A_381 {strides = array<i32>} : memref<3x128x128xf32, #tpu.memory_space<vmem>>, vector<1x1x16xf32>,
      %get3A_382 = arith.constant 1 : i32
      %get3A_383 = arith.index_cast %get3A_382 : i32 to index
      %get3A_384 = arith.index_cast %scan3A_283 : i32 to index
      %get3A_385 = arith.constant 80 : index
      %get3A_386 = tpu.vector_load %arg7[%get3A_383, %get3A_384, %get3A_385] {strides = array<i32>} : memref<3x128x128xf32, #tpu.memory_space<vmem>>, vector<1x1x16xf32>,
      %get3A_387 = vector.shape_cast %get3A_386 : vector<1x1x16xf32> to vector<16xf32>
      %get3A_388 = arith.constant 1 : i32
      %get3A_389 = arith.index_cast %get3A_388 : i32 to index
      %get3A_390 = arith.index_cast %scan3A_283 : i32 to index
      %get3A_391 = arith.constant 80 : index
      %get3A_392 = tpu.vector_load %arg8[%get3A_389, %get3A_390, %get3A_391] {strides = array<i32>} : memref<3x128x128xf32, #tpu.memory_space<vmem>>, vector<1x1x16xf32>,
      %get3A_393 = vector.shape_cast %get3A_392 : vector<1x1x16xf32> to vector<16xf32>
      %add3A_394 = arith.addf %get3A_387, %get3A_393 : vector<16xf32>
      %swap3A_395 = arith.constant 1 : i32
      %swap3A_396 = arith.index_cast %swap3A_395 : i32 to index
      %swap3A_397 = arith.index_cast %scan3A_283 : i32 to index
      %swap3A_398 = arith.constant 80 : index
      %swap3A_399 = tpu.vector_load %arg7[%swap3A_396, %swap3A_397, %swap3A_398] {strides = array<i32>} : memref<3x128x128xf32, #tpu.memory_space<vmem>>, vector<1x1x16xf32>,
      %swap3A_400 = vector.shape_cast %swap3A_399 : vector<1x1x16xf32> to vector<16xf32>
      %swap3A_401 = vector.shape_cast %add3A_394 : vector<16xf32> to vector<1x1x16xf32>
      tpu.vector_store %arg7[%swap3A_396, %swap3A_397, %swap3A_398], %swap3A_401 {strides = array<i32>} : memref<3x128x128xf32, #tpu.memory_space<vmem>>, vector<1x1x16xf32>,
      %get3A_402 = arith.constant 1 : i32
      %get3A_403 = arith.index_cast %get3A_402 : i32 to index
      %get3A_404 = arith.index_cast %scan3A_283 : i32 to index
      %get3A_405 = arith.constant 96 : index
      %get3A_406 = tpu.vector_load %arg7[%get3A_403, %get3A_404, %get3A_405] {strides = array<i32>} : memref<3x128x128xf32, #tpu.memory_space<vmem>>, vector<1x1x16xf32>,
      %get3A_407 = vector.shape_cast %get3A_406 : vector<1x1x16xf32> to vector<16xf32>
      %get3A_408 = arith.constant 1 : i32
      %get3A_409 = arith.index_cast %get3A_408 : i32 to index
      %get3A_410 = arith.index_cast %scan3A_283 : i32 to index
      %get3A_411 = arith.constant 96 : index
      %get3A_412 = tpu.vector_load %arg8[%get3A_409, %get3A_410, %get3A_411] {strides = array<i32>} : memref<3x128x128xf32, #tpu.memory_space<vmem>>, vector<1x1x16xf32>,
      %get3A_413 = vector.shape_cast %get3A_412 : vector<1x1x16xf32> to vector<16xf32>
      %add3A_414 = arith.addf %get3A_407, %get3A_413 : vector<16xf32>
      %swap3A_415 = arith.constant 1 : i32
      %swap3A_416 = arith.index_cast %swap3A_415 : i32 to index
      %swap3A_417 = arith.index_cast %scan3A_283 : i32 to index
      %swap3A_418 = arith.constant 96 : index
      %swap3A_419 = tpu.vector_load %arg7[%swap3A_416, %swap3A_417, %swap3A_418] {strides = array<i32>} : memref<3x128x128xf32, #tpu.memory_space<vmem>>, vector<1x1x16xf32>,
      %swap3A_420 = vector.shape_cast %swap3A_419 : vector<1x1x16xf32> to vector<16xf32>
      %swap3A_421 = vector.shape_cast %add3A_414 : vector<16xf32> to vector<1x1x16xf32>
      tpu.vector_store %arg7[%swap3A_416, %swap3A_417, %swap3A_418], %swap3A_421 {strides = array<i32>} : memref<3x128x128xf32, #tpu.memory_space<vmem>>, vector<1x1x16xf32>,
      %get3A_422 = arith.constant 1 : i32
      %get3A_423 = arith.index_cast %get3A_422 : i32 to index
      %get3A_424 = arith.index_cast %scan3A_283 : i32 to index
      %get3A_425 = arith.constant 112 : index
      %get3A_426 = tpu.vector_load %arg7[%get3A_423, %get3A_424, %get3A_425] {strides = array<i32>} : memref<3x128x128xf32, #tpu.memory_space<vmem>>, vector<1x1x16xf32>,
      %get3A_427 = vector.shape_cast %get3A_426 : vector<1x1x16xf32> to vector<16xf32>
      %get3A_428 = arith.constant 1 : i32
      %get3A_429 = arith.index_cast %get3A_428 : i32 to index
      %get3A_430 = arith.index_cast %scan3A_283 : i32 to index
      %get3A_431 = arith.constant 112 : index
      %get3A_432 = tpu.vector_load %arg8[%get3A_429, %get3A_430, %get3A_431] {strides = array<i32>} : memref<3x128x128xf32, #tpu.memory_space<vmem>>, vector<1x1x16xf32>,
      %get3A_433 = vector.shape_cast %get3A_432 : vector<1x1x16xf32> to vector<16xf32>
      %add3A_434 = arith.addf %get3A_427, %get3A_433 : vector<16xf32>
      %swap3A_435 = arith.constant 1 : i32
      %swap3A_436 = arith.index_cast %swap3A_435 : i32 to index
      %swap3A_437 = arith.index_cast %scan3A_283 : i32 to index
      %swap3A_438 = arith.constant 112 : index
      %swap3A_439 = tpu.vector_load %arg7[%swap3A_436, %swap3A_437, %swap3A_438] {strides = array<i32>} : memref<3x128x128xf32, #tpu.memory_space<vmem>>, vector<1x1x16xf32>,
      %swap3A_440 = vector.shape_cast %swap3A_439 : vector<1x1x16xf32> to vector<16xf32>
      %swap3A_441 = vector.shape_cast %add3A_434 : vector<16xf32> to vector<1x1x16xf32>
      tpu.vector_store %arg7[%swap3A_436, %swap3A_437, %swap3A_438], %swap3A_441 {strides = array<i32>} : memref<3x128x128xf32, #tpu.memory_space<vmem>>, vector<1x1x16xf32>,
    }
    %scan3A_210 = arith.constant 128 : i32
    %add3A_211 = arith.constant 25472 : i32
    %add3A_212 = arith.addi %mul3A_4, %add3A_211 : i32
    %dma_start3A_213 = arith.constant 1 : i32
    %dma_start3A_214 = arith.constant 1 : i32
    %dma_start3A_215 = arith.constant 0 : i32
    %dma_start3A_216 = arith.constant 0 : i32
    %dma_start3A_217 = tpu.memref_slice %arg7[%dma_start3A_213, %dma_start3A_215, %dma_start3A_216] : memref<3x128x128xf32, #tpu.memory_space<vmem>> -> memref<1x128x128xf32, #tpu.memory_space<vmem>>
    %dma_start3A_218 = tpu.memref_squeeze %dma_start3A_217 : memref<1x128x128xf32, #tpu.memory_space<vmem>> -> memref<128x128xf32, #tpu.memory_space<vmem>>
    %dma_start3A_219 = arith.constant 0 : i32
    %dma_start3A_220 = tpu.memref_slice %arg5[%add3A_212, %dma_start3A_219] : memref<819200x128xf32, #tpu.memory_space<hbm>> -> memref<128x128xf32, #tpu.memory_space<hbm>>
    %dma_start3A_221 = tpu.memref_slice %arg10[%dma_start3A_214] : memref<3x!tpu.dma_semaphore, #tpu.memory_space<semaphore_mem>> -> memref<1x!tpu.dma_semaphore, #tpu.memory_space<semaphore_mem>>
    %dma_start3A_222 = tpu.memref_squeeze %dma_start3A_221 : memref<1x!tpu.dma_semaphore, #tpu.memory_space<semaphore_mem>> -> memref<!tpu.dma_semaphore, #tpu.memory_space<semaphore_mem>>
    %dma_start3A_223 = arith.constant 0 : i32
    %dma_start3A_224 = tpu.memref_slice %arg5[%add3A_212, %dma_start3A_223] : memref<819200x128xf32, #tpu.memory_space<hbm>> -> memref<128x128xf32, #tpu.memory_space<hbm>>
    %dma_start3A_225 = arith.constant 0 : i32
    %dma_start3A_226 = arith.constant 0 : i32
    %dma_start3A_227 = tpu.memref_slice %arg7[%dma_start3A_213, %dma_start3A_225, %dma_start3A_226] : memref<3x128x128xf32, #tpu.memory_space<vmem>> -> memref<1x128x128xf32, #tpu.memory_space<vmem>>
    %dma_start3A_228 = tpu.memref_squeeze %dma_start3A_227 : memref<1x128x128xf32, #tpu.memory_space<vmem>> -> memref<128x128xf32, #tpu.memory_space<vmem>>
    tpu.enqueue_dma source(%dma_start3A_228 : memref<128x128xf32, #tpu.memory_space<vmem>>) target(%dma_start3A_224 : memref<128x128xf32, #tpu.memory_space<hbm>>) target_semaphore(%dma_start3A_222 : memref<!tpu.dma_semaphore, #tpu.memory_space<semaphore_mem>>)
    %add3A_229 = arith.constant 25216 : i32
    %add3A_230 = arith.addi %mul3A_4, %add3A_229 : i32
    %dma_wait3A_231 = arith.constant 2 : i32
    %dma_wait3A_232 = arith.constant 2 : i32
    %dma_wait3A_233 = arith.constant 0 : i32
    %dma_wait3A_234 = arith.constant 0 : i32
    %dma_wait3A_235 = tpu.memref_slice %arg7[%dma_wait3A_231, %dma_wait3A_233, %dma_wait3A_234] : memref<3x128x128xf32, #tpu.memory_space<vmem>> -> memref<1x128x128xf32, #tpu.memory_space<vmem>>
    %dma_wait3A_236 = tpu.memref_squeeze %dma_wait3A_235 : memref<1x128x128xf32, #tpu.memory_space<vmem>> -> memref<128x128xf32, #tpu.memory_space<vmem>>
    %dma_wait3A_237 = arith.constant 0 : i32
    %dma_wait3A_238 = tpu.memref_slice %arg5[%add3A_230, %dma_wait3A_237] : memref<819200x128xf32, #tpu.memory_space<hbm>> -> memref<128x128xf32, #tpu.memory_space<hbm>>
    %dma_wait3A_239 = tpu.memref_slice %arg10[%dma_wait3A_232] : memref<3x!tpu.dma_semaphore, #tpu.memory_space<semaphore_mem>> -> memref<1x!tpu.dma_semaphore, #tpu.memory_space<semaphore_mem>>
    %dma_wait3A_240 = tpu.memref_squeeze %dma_wait3A_239 : memref<1x!tpu.dma_semaphore, #tpu.memory_space<semaphore_mem>> -> memref<!tpu.dma_semaphore, #tpu.memory_space<semaphore_mem>>
    %dma_wait3A_241 = arith.constant 0 : i32
    %dma_wait3A_242 = tpu.memref_slice %arg5[%add3A_230, %dma_wait3A_241] : memref<819200x128xf32, #tpu.memory_space<hbm>> -> memref<128x128xf32, #tpu.memory_space<hbm>>
    %dma_wait3A_243 = arith.constant 0 : i32
    %dma_wait3A_244 = arith.constant 0 : i32
    %dma_wait3A_245 = tpu.memref_slice %arg7[%dma_wait3A_231, %dma_wait3A_243, %dma_wait3A_244] : memref<3x128x128xf32, #tpu.memory_space<vmem>> -> memref<1x128x128xf32, #tpu.memory_space<vmem>>
    %dma_wait3A_246 = tpu.memref_squeeze %dma_wait3A_245 : memref<1x128x128xf32, #tpu.memory_space<vmem>> -> memref<128x128xf32, #tpu.memory_space<vmem>>
    tpu.wait_dma2 semaphore(%dma_wait3A_240 : memref<!tpu.dma_semaphore, #tpu.memory_space<semaphore_mem>>) src(%dma_wait3A_246 : memref<128x128xf32, #tpu.memory_space<vmem>>) dst(%dma_wait3A_242 : memref<128x128xf32, #tpu.memory_space<hbm>>)
    %add3A_247 = arith.constant 25344 : i32
    %add3A_248 = arith.addi %mul3A_4, %add3A_247 : i32
    %dma_wait3A_249 = arith.constant 0 : i32
    %dma_wait3A_250 = arith.constant 0 : i32
    %dma_wait3A_251 = arith.constant 0 : i32
    %dma_wait3A_252 = arith.constant 0 : i32
    %dma_wait3A_253 = tpu.memref_slice %arg7[%dma_wait3A_249, %dma_wait3A_251, %dma_wait3A_252] : memref<3x128x128xf32, #tpu.memory_space<vmem>> -> memref<1x128x128xf32, #tpu.memory_space<vmem>>
    %dma_wait3A_254 = tpu.memref_squeeze %dma_wait3A_253 : memref<1x128x128xf32, #tpu.memory_space<vmem>> -> memref<128x128xf32, #tpu.memory_space<vmem>>
    %dma_wait3A_255 = arith.constant 0 : i32
    %dma_wait3A_256 = tpu.memref_slice %arg5[%add3A_248, %dma_wait3A_255] : memref<819200x128xf32, #tpu.memory_space<hbm>> -> memref<128x128xf32, #tpu.memory_space<hbm>>
    %dma_wait3A_257 = tpu.memref_slice %arg10[%dma_wait3A_250] : memref<3x!tpu.dma_semaphore, #tpu.memory_space<semaphore_mem>> -> memref<1x!tpu.dma_semaphore, #tpu.memory_space<semaphore_mem>>
    %dma_wait3A_258 = tpu.memref_squeeze %dma_wait3A_257 : memref<1x!tpu.dma_semaphore, #tpu.memory_space<semaphore_mem>> -> memref<!tpu.dma_semaphore, #tpu.memory_space<semaphore_mem>>
    %dma_wait3A_259 = arith.constant 0 : i32
    %dma_wait3A_260 = tpu.memref_slice %arg5[%add3A_248, %dma_wait3A_259] : memref<819200x128xf32, #tpu.memory_space<hbm>> -> memref<128x128xf32, #tpu.memory_space<hbm>>
    %dma_wait3A_261 = arith.constant 0 : i32
    %dma_wait3A_262 = arith.constant 0 : i32
    %dma_wait3A_263 = tpu.memref_slice %arg7[%dma_wait3A_249, %dma_wait3A_261, %dma_wait3A_262] : memref<3x128x128xf32, #tpu.memory_space<vmem>> -> memref<1x128x128xf32, #tpu.memory_space<vmem>>
    %dma_wait3A_264 = tpu.memref_squeeze %dma_wait3A_263 : memref<1x128x128xf32, #tpu.memory_space<vmem>> -> memref<128x128xf32, #tpu.memory_space<vmem>>
    tpu.wait_dma2 semaphore(%dma_wait3A_258 : memref<!tpu.dma_semaphore, #tpu.memory_space<semaphore_mem>>) src(%dma_wait3A_264 : memref<128x128xf32, #tpu.memory_space<vmem>>) dst(%dma_wait3A_260 : memref<128x128xf32, #tpu.memory_space<hbm>>)
    %add3A_265 = arith.constant 25472 : i32
    %add3A_266 = arith.addi %mul3A_4, %add3A_265 : i32
    %dma_wait3A_267 = arith.constant 1 : i32
    %dma_wait3A_268 = arith.constant 1 : i32
    %dma_wait3A_269 = arith.constant 0 : i32
    %dma_wait3A_270 = arith.constant 0 : i32
    %dma_wait3A_271 = tpu.memref_slice %arg7[%dma_wait3A_267, %dma_wait3A_269, %dma_wait3A_270] : memref<3x128x128xf32, #tpu.memory_space<vmem>> -> memref<1x128x128xf32, #tpu.memory_space<vmem>>
    %dma_wait3A_272 = tpu.memref_squeeze %dma_wait3A_271 : memref<1x128x128xf32, #tpu.memory_space<vmem>> -> memref<128x128xf32, #tpu.memory_space<vmem>>
    %dma_wait3A_273 = arith.constant 0 : i32
    %dma_wait3A_274 = tpu.memref_slice %arg5[%add3A_266, %dma_wait3A_273] : memref<819200x128xf32, #tpu.memory_space<hbm>> -> memref<128x128xf32, #tpu.memory_space<hbm>>
    %dma_wait3A_275 = tpu.memref_slice %arg10[%dma_wait3A_268] : memref<3x!tpu.dma_semaphore, #tpu.memory_space<semaphore_mem>> -> memref<1x!tpu.dma_semaphore, #tpu.memory_space<semaphore_mem>>
    %dma_wait3A_276 = tpu.memref_squeeze %dma_wait3A_275 : memref<1x!tpu.dma_semaphore, #tpu.memory_space<semaphore_mem>> -> memref<!tpu.dma_semaphore, #tpu.memory_space<semaphore_mem>>
    %dma_wait3A_277 = arith.constant 0 : i32
    %dma_wait3A_278 = tpu.memref_slice %arg5[%add3A_266, %dma_wait3A_277] : memref<819200x128xf32, #tpu.memory_space<hbm>> -> memref<128x128xf32, #tpu.memory_space<hbm>>
    %dma_wait3A_279 = arith.constant 0 : i32
    %dma_wait3A_280 = arith.constant 0 : i32
    %dma_wait3A_281 = tpu.memref_slice %arg7[%dma_wait3A_267, %dma_wait3A_279, %dma_wait3A_280] : memref<3x128x128xf32, #tpu.memory_space<vmem>> -> memref<1x128x128xf32, #tpu.memory_space<vmem>>
    %dma_wait3A_282 = tpu.memref_squeeze %dma_wait3A_281 : memref<1x128x128xf32, #tpu.memory_space<vmem>> -> memref<128x128xf32, #tpu.memory_space<vmem>>
    tpu.wait_dma2 semaphore(%dma_wait3A_276 : memref<!tpu.dma_semaphore, #tpu.memory_space<semaphore_mem>>) src(%dma_wait3A_282 : memref<128x128xf32, #tpu.memory_space<vmem>>) dst(%dma_wait3A_278 : memref<128x128xf32, #tpu.memory_space<hbm>>)
    return
  }
}

</mosaic_0001>

<sc_bundles>
// kernel: kernel.3.cloned.1.call-start
scs
__scs_entry_jumppad:
0x0: {  	(pc) =	sbr.rel $0x88, $3  }
0x1: {  	(tag) =	ssettag $0x0;
	lr =	simm.s32 $0x1  }
0x2: {  	[smem:$0x3F9E] =	sst lr;
	_ =	strace $0xD0000000  }
0x3: {  	_ = 	snop  }
0x4: {  	_ = 	snop  }
0x5: {  	_ = 	snop  }
0x6: {  	_ = 	snop  }
0x7: {  	_ = 	snop  }
__scs_overlays_trampoline_lowered:
0x8: {  	[smem:$0x3FAD] =	sst s0  }
0x9: {  	[smem:$0x3FAE] =	sst s1  }
0xa: {  	[smem:$0x3FAF] =	sst s2  }
0xb: {  	[smem:$0x3FB0] =	sst s3  }
0xc: {  	[smem:$0x3FB1] =	sst s4  }
0xd: {  	[smem:$0x3FB2] =	sst s5  }
0xe: {  	[smem:$0x3FB3] =	sst s6  }
0xf: {  	[smem:$0x3FB4] =	sst s7  }
0x10: {  	[smem:$0x3FB5] =	sst s8  }
0x11: {  	[smem:$0x3FB6] =	sst s9;
	s0 =	simm.s32 @!p0 $0x0  }
0x12: {  	s1 =	sld [smem:$0x3F9C];
	s0 =	simm.s32 @p0 $0x1  }
0x13: {  	[smem:$0x3FB7] =	sst s0;
	s0 =	simm.s32 @!p1 $0x0  }
0x14: {  	s2 =	sld [smem:$0x3F9B];
	s0 =	simm.s32 @p1 $0x1  }
0x15: {  	[smem:$0x3FB8] =	sst s0;
	s0 =	simm.s32 @!p2 $0x0  }
0x16: {  	s3 =	sld [smem:$0x3FDB];
	s0 =	simm.s32 @p2 $0x1  }
0x17: {  	s4 =	simm.s32 $0x1BF5;
	[smem:$0x3FBA] =	sst s0  }
0x18: {  	s0 =	sld [smem:$0x3F9D];
	_ =	swait.ge [sflag:s4], $0x0  }
0x19: {  	s7 =	sld [smem:$0x3F9E]  }
0x1a: {  	s8 =	sadd.s32 $0xFFFFE003, lr  }
0x1b: {  	s9 =	sadd.s32 $0xFFFFFEF7, lr;
	s5 =	simm.s32 $0xFFFFFFFF;
	p2 =	slt.u32 s8, $0xFFFFF086  }
0x1c: {  	p1 =	slt.u32 s9, $0xF7A;
	s5 =	simm.s32 @!p2 $0x0  }
0x1d: {  	s5 =	simm.s32 @p1 $0x1;
	p0 =	seq.s32 s7, s2  }
0x1e: {  	s7 =	smul.u32 @!p0 $0xF7A, s2;
	p2 =	seq.s32 @!p0 s5, $0x0  }
0x1f: {  	s9 =	smul.u32 $0xF7A, s1;
	s8 =	simm.s32 @!p0 $0x1BF5;
	p2 =	por !p2, p0  }
0x20: {  	[sflag:s8] =	ssyncset.s32 @!p0 $0xFFFFF086;
	s6 =	sadd.s32 @!p0 s3, s7;
	s7 =	simm.s32 @!p0 $0x108  }
0x21: {  	s3 =	sadd.s32 s3, s9;
	s6 =	sadd.s32 @!p0 $0x88, s6;
	s7 =	simm.s32 @p2 $0x1082  }
0x22: {  	[simem:s7], [sflag:s8] =	dma.local @!p0 [hbm:s6], $0xF7A  }
0x23: {  	s9 =	sor.u32 $0xD0000000, s2;
	s6 =	simm.s32 $0x108;
	_ =	swait.ge @!p0 [sflag:s8], $0x0  }
0x24: {  	s3 =	sadd.s32 $0x88, s3;
	s6 =	simm.s32 @!p1 $0x1082;
	[sflag:s4] =	ssyncset.s32 $0xFFFFF086  }
0x25: {  	[simem:s6], [sflag:s4] =	dma.local [hbm:s3], $0xF7A  }
0x26: {  	[smem:$0x3F9E] =	sst s1;
	(tag) =	ssettag s2;
	_ =	strace s9  }
0x27: {  	s1 =	sld [smem:$0x3FAE]  }
0x28: {  	s2 =	sld [smem:$0x3FAF]  }
0x29: {  	s4 =	sld [smem:$0x3FB1]  }
0x2a: {  	p0 =	seq.s32 s5, $0x0;
	s5 =	sld [smem:$0x3FB2]  }
0x2b: {  	s6 =	sld [smem:$0x3FB3]  }
0x2c: {  	s7 =	sld [smem:$0x3FB4]  }
0x2d: {  	s3 =	simm.s32 $0x108;
	s8 =	sld [smem:$0x3FB5]  }
0x2e: {  	s3 =	simm.s32 @!p0 $0x1082;
	s9 =	sld [smem:$0x3FB6]  }
0x2f: {  	lr =	sadd.s32 s0, s3;
	s0 =	sld [smem:$0x3FAD]  }
0x30: {  	s3 =	sld [smem:$0x3FB0]  }
0x31: {  	[smem:$0x3FB9] =	sst s10  }
0x32: {  	s10 =	sld [smem:$0x3FB7];
	_ =	sdelay $0x3  }
0x33: {  	p0 =	seq.s32 s10, $0x1;
	s10 =	sld [smem:$0x3FB9];
	_ =	sdelay $0x3  }
0x34: {  	[smem:$0x3FB9] =	sst s10  }
0x35: {  	s10 =	sld [smem:$0x3FB8];
	_ =	sdelay $0x3  }
0x36: {  	p1 =	seq.s32 s10, $0x1;
	s10 =	sld [smem:$0x3FB9];
	_ =	sdelay $0x3  }
0x37: {  	[smem:$0x3FB9] =	sst s10  }
0x38: {  	s10 =	sld [smem:$0x3FBA]  }
0x39: {  	_ = 	snop;
	(pc) =	sbr.ind lr, $3  }
0x3a: {  	_ = 	snop  }
0x3b: {  	_ = 	snop  }
0x3c: {  	p2 =	seq.s32 s10, $0x1;
	s10 =	sld [smem:$0x3FB9]  }
0x3d: {  	_ =	shalt  }
0x3e: {  	_ =	shalt  }
0x3f: {  	_ =	shalt  }
0x40: {  	_ =	shalt  }
0x41: {  	_ =	shalt  }
0x42: {  	_ =	shalt  }
0x43: {  	_ =	shalt  }
0x44: {  	_ =	shalt  }
0x45: {  	_ =	shalt  }
0x46: {  	_ =	shalt  }
0x47: {  	_ =	shalt  }
0x48: {  	_ =	shalt  }
0x49: {  	_ =	shalt  }
0x4a: {  	_ =	shalt  }
0x4b: {  	_ =	shalt  }
0x4c: {  	_ =	shalt  }
0x4d: {  	_ =	shalt  }
0x4e: {  	_ =	shalt  }
0x4f: {  	_ =	shalt  }
0x50: {  	_ =	shalt  }
0x51: {  	_ =	shalt  }
0x52: {  	_ =	shalt  }
0x53: {  	_ =	shalt  }
0x54: {  	_ =	shalt  }
0x55: {  	_ =	shalt  }
0x56: {  	_ =	shalt  }
0x57: {  	_ =	shalt  }
0x58: {  	_ =	shalt  }
0x59: {  	_ =	shalt  }
0x5a: {  	_ =	shalt  }
0x5b: {  	_ =	shalt  }
0x5c: {  	_ =	shalt  }
0x5d: {  	_ =	shalt  }
0x5e: {  	_ =	shalt  }
0x5f: {  	_ =	shalt  }
0x60: {  	_ =	shalt  }
0x61: {  	_ =	shalt  }
0x62: {  	_ =	shalt  }
0x63: {  	_ =	shalt  }
0x64: {  	_ =	shalt  }
0x65: {  	_ =	shalt  }
0x66: {  	_ =	shalt  }
0x67: {  	_ =	shalt  }
0x68: {  	_ =	shalt  }
0x69: {  	_ =	shalt  }
0x6a: {  	_ =	shalt  }
0x6b: {  	_ =	shalt  }
0x6c: {  	_ =	shalt  }
0x6d: {  	_ =	shalt  }
0x6e: {  	_ =	shalt  }
0x6f: {  	_ =	shalt  }
0x70: {  	_ =	shalt  }
0x71: {  	_ =	shalt  }
0x72: {  	_ =	shalt  }
0x73: {  	_ =	shalt  }
0x74: {  	_ =	shalt  }
0x75: {  	_ =	shalt  }
0x76: {  	_ =	shalt  }
0x77: {  	_ =	shalt  }
0x78: {  	_ =	shalt  }
0x79: {  	_ =	shalt  }
0x7a: {  	_ =	shalt  }
0x7b: {  	_ =	shalt  }
0x7c: {  	_ =	shalt  }
0x7d: {  	_ =	shalt  }
0x7e: {  	_ =	shalt  }
0x7f: {  	_ =	shalt  }
0x80: {  	_ =	shalt  }
0x81: {  	_ =	shalt  }
0x82: {  	_ =	shalt  }
0x83: {  	_ =	shalt  }
0x84: {  	_ =	shalt  }
0x85: {  	_ =	shalt  }
0x86: {  	_ =	shalt  }
0x87: {  	_ =	shalt  }
.Lfunc_end0:
.L_simem_size_0:
called_computation_lowered:
.L_overlay_start_0:
0x88: {  	s2 =	sld [smem:$0x3FD9]  }
0x89: {  	s3 =	sld [smem:$0x3FFE];
	_ =	sdelay $0x1  }
0x8a: {  	s1 =	srdreg.scid  }
0x8b: {  	s0 =	sand.u32 $0x1, s1  }
0x8c: {  	s17 =	sshll.u32 s0, $0xA;
	s2 =	sadd.s32 s3, s2  }
0x8d: {  	s2 =	sadd.s32 s2, s17  }
0x8e: {  	[smem:$0x3FC5] =	sst s2  }
0x8f: {  	_ = 	snop  }
0x90: {  	s2 =	sld [smem:$0x3FC9]  }
0x91: {  	s18 =	sld [smem:$0x3FD0];
	(tm) =	ssettm $0x1  }
0x92: {  	s4 =	sld [smem:$0x3FFB];
	_ =	sdelay $0x3  }
0x93: {  	_ =	strace s4  }
0x94: {  	s4 =	sld [smem:$0x3FFC];
	_ =	sdelay $0x3  }
0x95: {  	_ =	strace s4  }
0x96: {  	s4 =	sld [smem:$0x3FFD];
	_ =	sdelay $0x3  }
0x97: {  	_ =	strace s4  }
0x98: {  	_ =	strace $0x8FFFFFFF  }
0x99: {  	s19 =	sld [smem:$0x3FDB];
	_ =	sdelay $0x1  }
0x9a: {  	s5 =	simm.s32 $_scs_section_size  }
0x9b: {  	s6 =	simm.s32 $_size__tile_overlayer_lowered;
	s7 =	simm.s32 $_tile_overlayer_lowered  }
0x9c: {  	s22 =	simm.s32 $0x1BFF;
	s21 =	sshll.u32 s7, $0x1;
	s4 =	sadd.s32 s5, s19  }
0x9d: {  	s8 =	simm.s32 $0x0;
	s20 =	sshll.u32 s6, $0x1;
	s6 =	sadd.s32 s21, s4  }
0x9e: {  	[timem:s8], [sflag:s22] =	dma.local [hbm:s6], s20  }
0x9f: {  	_ =	swait.ge [sflag:s22], s20  }
0xa0: {  	s5 =	ssub.s32 $0x0, s20;
	[sflag:s22] =	ssyncset.done $0x0  }
0xa1: {  	[sflag:s22] =	ssyncadd.s32 s5;
	_ =	sdelay $0x1  }
0xa2: {  	s23 =	simm.s32 $0x1B8B  }
0xa3: {  	_ =	swait.ge [sflag:s23], $0x1  }
0xa4: {  	[sflag:s23] =	ssyncset.done $0x0  }
0xa5: {  	s25 =	simm.s32 $0x1B8E;
	s24 =	sld [smem:$0x3FFE];
	[sflag:s23] =	ssyncadd.s32 $0xFFFFFFFF  }
0xa6: {  	s26 =	simm.s32 $execute0_lowered;
	[smem:$0x3FD2] =	sst s25  }
0xa7: {  	s6 =	sshll.u32 s26, $0x1;
	_ =	strace $0x80000046;
	[dreg:$0x1] =	wrdreg $0xFFFFFFFF  }
0xa8: {  	s28 =	simm.s32 $_size_execute0_lowered;
	s4 =	sadd.s32 s4, s6;
	[dreg:$0x0] =	wrdreg $0x0  }
0xa9: {  	s6 =	sshll.u32 s28, $0x1;
	[dreg:$0x2] =	wrdreg s4  }
0xaa: {  	[dreg:$0x3] =	wrdreg s6  }
0xab: {  	[dreg:$0x4] =	wrdreg $0xC0  }
0xac: {  	_ =	task [dreg:s8], $0x5FFFF  }
0xad: {  	[dreg:$0x1] =	wrdreg $0xFFFFFFFF  }
0xae: {  	[dreg:$0x0] =	wrdreg $0x60  }
0xaf: {  	[dreg:$0x2] =	wrdreg s2  }
0xb0: {  	[dreg:$0x3] =	wrdreg s24  }
0xb1: {  	[dreg:$0x4] =	wrdreg s18  }
0xb2: {  	[dreg:$0x5] =	wrdreg $0x9  }
0xb3: {  	_ =	task.clear_ibuf [dreg:s8], $0x6FFFF;
	_ =	strace $0x90000046  }
0xb4: {  	s29 =	simm.s32 $0x9;
	_ =	strace $0x80000048  }
0xb5: {  	_ =	swait.ge [sflag:s29], $0x1  }
0xb6: {  	[sflag:s29] =	ssyncadd.s32 $0xFFFFFFFF  }
0xb7: {  	_ =	strace $0x90000048  }
0xb8: {  	_ =	sfence  }
0xb9: {  	s30 =	sld [smem:$0x0];
	_ =	sdelay $0x2  }
0xba: {  	s31 =	sshll.u32 s1, $0xD;
	s1 =	sshrl.u32 s1, $0x2  }
0xbb: {  	s3 =	sand.u32 $0x4000, s31;
	s1 =	sadd.s32 s1, s30  }
0xbc: {  	s0 =	sor.u32 s3, s0;
	s1 =	sshll.u32 s1, $0x11  }
0xbd: {  	s0 =	sor.u32 s1, s0  }
0xbe: {  	s0 =	sadd.s32 $0x8F2B, s0  }
0xbf: {  	[sflag:s0] =	ssyncadd.remote.s32 $0x1  }
0xc0: {  	_ =	sfence.sel $0xFFFF  }
0xc1: {  	[dreg:$0x0] =	wrdreg $0xFFFFFFFF;
	(pc) =	sbr.abs _section_cstart, $3  }
0xc2: {  	[dreg:$0x1] =	wrdreg $0xFFFFFFFF  }
0xc3: {  	_ =	task.clear_ibuf [dreg:s8], $0x2FFFF;
	_ =	strace $0x9FFFFFFF  }
0xc4: {  	(tm) =	ssettm $0x7FFFFFFF  }
0xc5: {  	_ =	shalt  }
tec
execute0_lowered:
.L_overlay_start_1:
0x0: {  	(tag) =	ssettag $0x1  }
0x1: {  	s1 =	rddreg [dreg:$0x0]  }
0x2: {  	s0 =	rddreg [dreg:$0x1]  }
0x3: {  	s2 =	srdreg.scid;
	s4 =	stileid.u32  }
0x4: {  	s3 =	rddreg [dreg:$0x2];
	s14 =	simm.s32 $0x7;
	s15 =	simm.s32 $0x80  }
0x5: {  	s16 =	simm.s32 $0x12400;
	s17 =	simm.s32 $0x6400;
	s18 =	simm.s32 $0x16400  }
0x6: {  	s19 =	simm.s32 $0xA400;
	s20 =	simm.s32 $0x1;
	s21 =	simm.s32 $0x1A400  }
0x7: {  	s22 =	simm.s32 $0xE400;
	s23 =	simm.s32 $0x2;
	s29 =	simm.s32 $0x6  }
0x8: {  	s30 =	simm.s32 $0x0;
	s2 =	sand.u32 $0x1, s2;
	s5 =	sshll.u32 s4, $0x1  }
0x9: {  	s31 =	simm.s32 $0x0;
	s4 =	simm.s32 $0x0;
	s7 =	sor.u32 s2, s5  }
0xa: {  	[smem:$0x7FF] =	sst s4;
	s5 =	smul.u32 $0xC80, s7;
	s6 =	sand.u32 $0x7, s7  }
0xb: {  	s2 =	ssub.s32 $0x2, s2;
	_ =	strace $0x80000047;
	s6 =	smul.u32 $0x3E80, s6  }
0xc: {  	s9 =	sshrl.u32 s2, $0x1;
	s8 =	sadd.s32 s5, s0;
	s5 =	smul.u32 $0x320000, s7  }
0xd: {  	s2 =	ssub.s32 s2, s9;
	s0 =	sadd.s32 s6, s0;
	s6 =	smul.u32 $0x6400, s7  }
0xe: {  	s13 =	smax.u32 s2, $0x1;
	s8 =	sadd.s32 $0x600, s8;
	s7 =	smul.u32 $0x64000, s7  }
0xf: {  	[dreg:$0x4] =	wrdreg s8;
	s24 =	sshrl.u32 s5, $0x3;
	s8 =	sadd.s32 $0x19600, s0  }
0x10: {  	s25 =	sadd.s32 $0x63800, s24;
	s9 =	sadd.s32 s3, s24;
	s7 =	sadd.s32 s1, s7  }
0x11: {  	s24 =	simm.s32 $0x4;
	[dreg:$0x5] =	wrdreg s7;
	s26 =	sadd.s32 s1, s25  }
0x12: {  	s28 =	sadd.s32 $0x63000, s9;
	s12 =	sadd.s32 s3, s25;
	[dreg:$0x6] =	wrdreg s26  }
0x13: {  	s25 =	simm.s32 $0x3;
	[dreg:$0x7] =	wrdreg s28;
	s26 =	simm.s32 $0x5  }
.LBB2_1:
0x14: {  	s0 =	rddreg [dreg:$0x4]  }
0x15: {  	[tilespmem:s4], [sflag:$0x7] =	stream.linear.gather [hbm4b:s0+s4], $0x6400, $0x38;
	[tilespmem:$0x1E400] =	vst v63  }
0x16: {  	_ =	swait.ge [sflag:s14], $0x6400  }
0x17: {  	[sflag:s14] =	ssyncset.done $0x0  }
0x18: {  	s0 =	simm.s32 $0x0;
	[sflag:s14] =	ssyncadd.s32 $0xFFFF9C00  }
0x19: {  	v0 =	vld [tilespmem:s0+$0x0]  }
0x1a: {  	v5 =	vld [tilespmem:s0+$0x10]  }
0x1b: {  	v4 =	vld [tilespmem:s0+$0x20]  }
0x1c: {  	v3 =	vld [tilespmem:s0+$0x30]  }
0x1d: {  	v2 =	vld [tilespmem:s0+$0x40]  }
0x1e: {  	v1 =	vld [tilespmem:s0+$0x50];
	vm0 =	vgt.s32 v0, $0x0  }
0x1f: {  	s2 =	simm.s32 $0x200;
	v6 =	vnsel vm0, $0x0, v0;
	vm0 =	vgt.s32 v5, $0x0;
	v0 =	vld [tilespmem:s0+$0x60]  }
.LBB2_2:
0x20: {  	p0 =	sne.s32 s2, $0x18E00;
	v6 =	vmin.u32 v6, $0x3E7;
	v5 =	vnsel vm0, $0x0, v5;
	vm0 =	vgt.s32 v4, $0x0;
	v7 =	vld [tilespmem:s0+$0x70]  }
0x21: {  	s7 =	sshra.s32 s2, $0x2;
	[tilespmem:s0+$0x0] =	vst v6;
	v5 =	vmin.u32 v5, $0x3E7;
	v4 =	vnsel vm0, $0x0, v4;
	vm0 =	vgt.s32 v3, $0x0  }
0x22: {  	v6 =	vld [tilespmem:s7+$0x0];
	[tilespmem:s0+$0x10] =	vst v5;
	v4 =	vmin.u32 v4, $0x3E7;
	v3 =	vnsel vm0, $0x0, v3;
	vm0 =	vgt.s32 v2, $0x0  }
0x23: {  	v5 =	vld [tilespmem:s7+$0x10];
	[tilespmem:s0+$0x20] =	vst v4;
	v3 =	vmin.u32 v3, $0x3E7;
	v2 =	vnsel vm0, $0x0, v2;
	vm0 =	vgt.s32 v1, $0x0  }
.Ltmp0:
0x24: {  	v4 =	vld [tilespmem:s7+$0x20];
	[tilespmem:s0+$0x30] =	vst v3;
	v2 =	vmin.u32 v2, $0x3E7;
	v1 =	vnsel vm0, $0x0, v1;
	vm0 =	vgt.s32 v0, $0x0;
	(pc) =	sbr.rel @p0 .LBB2_2-.Ltmp0, $4  }
0x25: {  	v3 =	vld [tilespmem:s7+$0x30];
	[tilespmem:s0+$0x40] =	vst v2;
	v1 =	vmin.u32 v1, $0x3E7;
	v0 =	vnsel vm0, $0x0, v0;
	vm0 =	vgt.s32 v7, $0x0  }
0x26: {  	v2 =	vld [tilespmem:s7+$0x40];
	[tilespmem:s0+$0x50] =	vst v1;
	v0 =	vmin.u32 v0, $0x3E7;
	v7 =	vnsel vm0, $0x0, v7  }
0x27: {  	vm0 =	vgt.s32 v6, $0x0;
	v1 =	vld [tilespmem:s7+$0x50];
	[tilespmem:s0+$0x60] =	vst v0;
	v7 =	vmin.u32 v7, $0x3E7  }
0x28: {  	s2 =	sadd.s32 $0x200, s2;
	v6 =	vnsel vm0, $0x0, v6;
	vm0 =	vgt.s32 v5, $0x0;
	v0 =	vld [tilespmem:s7+$0x60];
	[tilespmem:s0+$0x70] =	vst v7;
	s0 =	smov.u32 s7  }
0x29: {  	v6 =	vmin.u32 v6, $0x3E7;
	v5 =	vnsel vm0, $0x0, v5;
	vm10 =	vgt.s32 v4, $0x0;
	v7 =	vld [tilespmem:s0+$0x70]  }
0x2a: {  	[tilespmem:s0+$0x0] =	vst v6;
	v5 =	vmin.u32 v5, $0x3E7;
	v4 =	vnsel vm10, $0x0, v4;
	vm11 =	vgt.s32 v3, $0x0  }
0x2b: {  	[tilespmem:s0+$0x10] =	vst v5;
	v4 =	vmin.u32 v4, $0x3E7;
	v3 =	vnsel vm11, $0x0, v3;
	vm12 =	vgt.s32 v2, $0x0  }
0x2c: {  	[tilespmem:s0+$0x20] =	vst v4;
	v3 =	vmin.u32 v3, $0x3E7;
	v2 =	vnsel vm12, $0x0, v2;
	vm13 =	vgt.s32 v1, $0x0  }
0x2d: {  	[tilespmem:s0+$0x30] =	vst v3;
	v2 =	vmin.u32 v2, $0x3E7;
	v1 =	vnsel vm13, $0x0, v1;
	vm14 =	vgt.s32 v0, $0x0  }
0x2e: {  	[tilespmem:s0+$0x40] =	vst v2;
	v1 =	vmin.u32 v1, $0x3E7;
	v0 =	vnsel vm14, $0x0, v0;
	vm15 =	vgt.s32 v7, $0x0  }
0x2f: {  	[tilespmem:s0+$0x50] =	vst v1;
	v0 =	vmin.u32 v0, $0x3E7;
	v62 =	vnsel vm15, $0x0, v7  }
0x30: {  	[tilespmem:s0+$0x60] =	vst v0;
	v63 =	vmin.u32 v62, $0x3E7  }
0x31: {  	[tilespmem:s0+$0x70] =	vst v63  }
0x32: {  	[tilespmem:s16], [sflag:$0x1] =	stream.indirect.gather [hbm4b:s8+s15], $0x80, s31, s15, $0xb8;
	[tilespmem:$0x1E400] =	vst v63  }
0x33: {  	s28 =	rddreg [dreg:$0x5];
	s2 =	simm.s32 $0x0  }
0x34: {  	[tilespmem:s17], [sflag:$0x1] =	stream.linear.gather [hbm4b:s28+s31], $0x4000, $0x38;
	[tilespmem:$0x1E400] =	vst v63  }
.LBB2_4:
0x35: {  	p0 =	seq.s32 s2, $0x0;
	s28 =	smul.u32 $0x3, s2  }
0x36: {  	s7 =	simm.s32 @!p0 $0x5  }
0x37: {  	_ =	swait.ge @!p0 [sflag:s7], $0x4000;
	s0 =	sadd.s32 $0x1, s28  }
0x38: {  	[sflag:s7] =	ssyncset.done @!p0 $0x0;
	s11 =	sshll.u32 s0, $0x7  }
0x39: {  	[sflag:s7] =	ssyncadd.s32 @!p0 $0xFFFFC000;
	s7 =	sadd.s32 s6, s11  }
0x3a: {  	[tilespmem:s18], [sflag:$0x2] =	stream.indirect.gather [hbm4b:s8+s15], $0x80, s11, s15, $0xb8;
	[tilespmem:$0x1E400] =	vst v63  }
0x3b: {  	s7 =	sshll.u32 s7, $0x4  }
0x3c: {  	s7 =	sadd.s32 s1, s7  }
0x3d: {  	[tilespmem:s19], [sflag:$0x2] =	stream.linear.gather [hbm4b:s7+s31], $0x4000, $0x38;
	[tilespmem:$0x1E400] =	vst v63  }
0x3e: {  	_ =	swait.ge [sflag:s20], $0x4000  }
0x3f: {  	[sflag:s20] =	ssyncset.done $0x0  }
0x40: {  	[sflag:s20] =	ssyncadd.s32 $0xFFFFC000  }
0x41: {  	_ =	swait.ge [sflag:s20], $0x4000  }
0x42: {  	[sflag:s20] =	ssyncset.done $0x0  }
0x43: {  	s9 =	simm.s32 $0x0;
	[sflag:s20] =	ssyncadd.s32 $0xFFFFC000  }
0x44: {  	v6 =	vld [tilespmem:s9+$0x12400]  }
0x45: {  	v11 =	vld [tilespmem:s9+$0x12410]  }
0x46: {  	v5 =	vld [tilespmem:s9+$0x12420]  }
0x47: {  	v4 =	vld [tilespmem:s9+$0x12430]  }
0x48: {  	v3 =	vld [tilespmem:s9+$0x12440]  }
0x49: {  	v2 =	vld [tilespmem:s9+$0x12450]  }
0x4a: {  	v1 =	vld [tilespmem:s9+$0x12460]  }
0x4b: {  	v0 =	vld [tilespmem:s9+$0x12470]  }
0x4c: {  	v12 =	vld [tilespmem:s9+$0x6400]  }
0x4d: {  	v13 =	vld [tilespmem:s9+$0x6410]  }
0x4e: {  	v10 =	vld [tilespmem:s9+$0x6420]  }
0x4f: {  	v9 =	vld [tilespmem:s9+$0x6430]  }
0x50: {  	v8 =	vld [tilespmem:s9+$0x6440]  }
0x51: {  	v7 =	vld [tilespmem:s9+$0x6450];
	v12 =	vadd.f32 v6, v12  }
0x52: {  	s7 =	simm.s32 $0x200;
	v11 =	vadd.f32 v11, v13;
	v6 =	vld [tilespmem:s9+$0x6460]  }
.LBB2_5:
0x53: {  	s10 =	sshra.s32 s7, $0x2;
	p1 =	sne.s32 s7, $0xFE00;
	[tilespmem:s9+$0x6400] =	vst v12;
	v5 =	vadd.f32 v5, v10;
	v10 =	vld [tilespmem:s9+$0x6470]  }
0x54: {  	v12 =	vld [tilespmem:s10+$0x12400];
	[tilespmem:s9+$0x6410] =	vst v11;
	v4 =	vadd.f32 v4, v9  }
0x55: {  	v11 =	vld [tilespmem:s10+$0x12410];
	[tilespmem:s9+$0x6420] =	vst v5;
	v3 =	vadd.f32 v3, v8  }
0x56: {  	v5 =	vld [tilespmem:s10+$0x12420];
	[tilespmem:s9+$0x6430] =	vst v4;
	v2 =	vadd.f32 v2, v7  }
0x57: {  	v4 =	vld [tilespmem:s10+$0x12430];
	[tilespmem:s9+$0x6440] =	vst v3;
	v1 =	vadd.f32 v1, v6  }
0x58: {  	v3 =	vld [tilespmem:s10+$0x12440];
	[tilespmem:s9+$0x6450] =	vst v2;
	v0 =	vadd.f32 v0, v10  }
0x59: {  	v2 =	vld [tilespmem:s10+$0x12450];
	[tilespmem:s9+$0x6460] =	vst v1  }
0x5a: {  	v1 =	vld [tilespmem:s10+$0x12460];
	[tilespmem:s9+$0x6470] =	vst v0;
	s9 =	smov.u32 s10  }
0x5b: {  	v0 =	vld [tilespmem:s9+$0x12470]  }
0x5c: {  	v6 =	vld [tilespmem:s9+$0x6400]  }
0x5d: {  	v13 =	vld [tilespmem:s9+$0x6410]  }
.Ltmp1:
0x5e: {  	v10 =	vld [tilespmem:s9+$0x6420];
	(pc) =	sbr.rel @p1 .LBB2_5-.Ltmp1, $4  }
0x5f: {  	v9 =	vld [tilespmem:s9+$0x6430]  }
0x60: {  	v8 =	vld [tilespmem:s9+$0x6440]  }
0x61: {  	v12 =	vadd.f32 v12, v6;
	v7 =	vld [tilespmem:s9+$0x6450]  }
0x62: {  	s7 =	sadd.s32 $0x200, s7;
	v11 =	vadd.f32 v11, v13;
	v6 =	vld [tilespmem:s9+$0x6460]  }
0x63: {  	[tilespmem:s9+$0x6400] =	vst v12;
	v5 =	vadd.f32 v5, v10;
	v10 =	vld [tilespmem:s9+$0x6470]  }
0x64: {  	[tilespmem:s9+$0x6410] =	vst v11;
	v4 =	vadd.f32 v4, v9  }
0x65: {  	[tilespmem:s9+$0x6420] =	vst v5;
	v3 =	vadd.f32 v3, v8  }
0x66: {  	s7 =	smul.u32 $0x180, s2;
	[tilespmem:s9+$0x6430] =	vst v4;
	v2 =	vadd.f32 v2, v7  }
0x67: {  	[tilespmem:s9+$0x6440] =	vst v3;
	v1 =	vadd.f32 v1, v6  }
0x68: {  	s10 =	sadd.s32 s6, s7;
	[tilespmem:s9+$0x6450] =	vst v2;
	v0 =	vadd.f32 v0, v10  }
0x69: {  	s10 =	sshll.u32 s10, $0x4;
	[tilespmem:s9+$0x6460] =	vst v1  }
0x6a: {  	s11 =	sadd.s32 s3, s10;
	[tilespmem:s9+$0x6470] =	vst v0;
	s9 =	simm.s32 @!p0 $0x6  }
0x6b: {  	[hbm4b:s11+s4] =	stream.linear.scatter [tilespmem:s17], [sflag:$0x4], $0x4000, $0x38;
	[tilespmem:$0x1E400] =	vst v63  }
0x6c: {  	s28 =	sadd.s32 $0x2, s28;
	_ =	swait.ge @!p0 [sflag:s9], $0x4000  }
0x6d: {  	s10 =	sshll.u32 s28, $0x7;
	[sflag:s9] =	ssyncset.done @!p0 $0x0  }
0x6e: {  	[sflag:s9] =	ssyncadd.s32 @!p0 $0xFFFFC000;
	s9 =	sadd.s32 s6, s10  }
0x6f: {  	[tilespmem:s21], [sflag:$0x3] =	stream.indirect.gather [hbm4b:s8+s15], $0x80, s10, s15, $0xb8;
	[tilespmem:$0x1E400] =	vst v63  }
0x70: {  	s9 =	sshll.u32 s9, $0x4  }
0x71: {  	s11 =	simm.s32 $0x0;
	s9 =	sadd.s32 s1, s9  }
0x72: {  	[tilespmem:s22], [sflag:$0x3] =	stream.linear.gather [hbm4b:s9+s11], $0x4000, $0x38;
	[tilespmem:$0x1E400] =	vst v63  }
0x73: {  	_ =	swait.ge [sflag:s23], $0x4000  }
0x74: {  	[sflag:s23] =	ssyncset.done $0x0  }
0x75: {  	[sflag:s23] =	ssyncadd.s32 $0xFFFFC000  }
0x76: {  	_ =	swait.ge [sflag:s23], $0x4000  }
0x77: {  	[sflag:s23] =	ssyncset.done $0x0  }
0x78: {  	s9 =	simm.s32 $0x0;
	[sflag:s23] =	ssyncadd.s32 $0xFFFFC000  }
0x79: {  	v7 =	vld [tilespmem:s9+$0x16400]  }
0x7a: {  	v11 =	vld [tilespmem:s9+$0x16410]  }
0x7b: {  	v5 =	vld [tilespmem:s9+$0x16420]  }
0x7c: {  	v4 =	vld [tilespmem:s9+$0x16430]  }
0x7d: {  	v3 =	vld [tilespmem:s9+$0x16440]  }
0x7e: {  	v2 =	vld [tilespmem:s9+$0x16450]  }
0x7f: {  	v1 =	vld [tilespmem:s9+$0x16460]  }
0x80: {  	v0 =	vld [tilespmem:s9+$0x16470]  }
0x81: {  	v12 =	vld [tilespmem:s9+$0xA400]  }
0x82: {  	v13 =	vld [tilespmem:s9+$0xA410]  }
0x83: {  	v10 =	vld [tilespmem:s9+$0xA420]  }
0x84: {  	v9 =	vld [tilespmem:s9+$0xA430]  }
0x85: {  	v8 =	vld [tilespmem:s9+$0xA440]  }
0x86: {  	v6 =	vld [tilespmem:s9+$0xA450];
	v12 =	vadd.f32 v7, v12  }
0x87: {  	s10 =	simm.s32 $0x200;
	v11 =	vadd.f32 v11, v13;
	v7 =	vld [tilespmem:s9+$0xA460]  }
.LBB2_7:
0x88: {  	s11 =	sshra.s32 s10, $0x2;
	p0 =	sne.s32 s10, $0xFE00;
	[tilespmem:s9+$0xA400] =	vst v12;
	v5 =	vadd.f32 v5, v10;
	v10 =	vld [tilespmem:s9+$0xA470]  }
0x89: {  	v12 =	vld [tilespmem:s11+$0x16400];
	[tilespmem:s9+$0xA410] =	vst v11;
	v4 =	vadd.f32 v4, v9  }
0x8a: {  	v11 =	vld [tilespmem:s11+$0x16410];
	[tilespmem:s9+$0xA420] =	vst v5;
	v3 =	vadd.f32 v3, v8  }
0x8b: {  	v5 =	vld [tilespmem:s11+$0x16420];
	[tilespmem:s9+$0xA430] =	vst v4;
	v2 =	vadd.f32 v2, v6  }
0x8c: {  	v4 =	vld [tilespmem:s11+$0x16430];
	[tilespmem:s9+$0xA440] =	vst v3;
	v1 =	vadd.f32 v1, v7  }
0x8d: {  	v3 =	vld [tilespmem:s11+$0x16440];
	[tilespmem:s9+$0xA450] =	vst v2;
	v0 =	vadd.f32 v0, v10  }
0x8e: {  	v2 =	vld [tilespmem:s11+$0x16450];
	[tilespmem:s9+$0xA460] =	vst v1  }
0x8f: {  	v1 =	vld [tilespmem:s11+$0x16460];
	[tilespmem:s9+$0xA470] =	vst v0;
	s9 =	smov.u32 s11  }
0x90: {  	v0 =	vld [tilespmem:s9+$0x16470]  }
0x91: {  	v6 =	vld [tilespmem:s9+$0xA400]  }
0x92: {  	v7 =	vld [tilespmem:s9+$0xA410]  }
.Ltmp2:
0x93: {  	v10 =	vld [tilespmem:s9+$0xA420];
	(pc) =	sbr.rel @p0 .LBB2_7-.Ltmp2, $4  }
0x94: {  	v9 =	vld [tilespmem:s9+$0xA430]  }
0x95: {  	v8 =	vld [tilespmem:s9+$0xA440]  }
0x96: {  	v12 =	vadd.f32 v12, v6;
	v6 =	vld [tilespmem:s9+$0xA450]  }
0x97: {  	s10 =	sadd.s32 $0x200, s10;
	v11 =	vadd.f32 v11, v7;
	v7 =	vld [tilespmem:s9+$0xA460]  }
0x98: {  	[tilespmem:s9+$0xA400] =	vst v12;
	v5 =	vadd.f32 v5, v10;
	v10 =	vld [tilespmem:s9+$0xA470]  }
0x99: {  	[tilespmem:s9+$0xA410] =	vst v11;
	v4 =	vadd.f32 v4, v9  }
0x9a: {  	[tilespmem:s9+$0xA420] =	vst v5;
	v3 =	vadd.f32 v3, v8  }
0x9b: {  	[tilespmem:s9+$0xA430] =	vst v4;
	v2 =	vadd.f32 v2, v6  }
0x9c: {  	s0 =	sshll.u32 s0, $0xE;
	[tilespmem:s9+$0xA440] =	vst v3;
	v1 =	vadd.f32 v1, v7  }
0x9d: {  	s0 =	sadd.s32 s5, s0;
	[tilespmem:s9+$0xA450] =	vst v2;
	v0 =	vadd.f32 v0, v10  }
0x9e: {  	s0 =	sshrl.u32 s0, $0x3;
	[tilespmem:s9+$0xA460] =	vst v1  }
0x9f: {  	s10 =	simm.s32 $0x0;
	s0 =	sadd.s32 s3, s0;
	[tilespmem:s9+$0xA470] =	vst v0  }
0xa0: {  	[hbm4b:s0+s10] =	stream.linear.scatter [tilespmem:s19], [sflag:$0x5], $0x4000, $0x38;
	[tilespmem:$0x1E400] =	vst v63  }
0xa1: {  	s11 =	sadd.s32 $0x180, s7;
	_ =	swait.ge [sflag:s24], $0x4000  }
0xa2: {  	s0 =	sadd.s32 s6, s11;
	[sflag:s24] =	ssyncset.done $0x0  }
0xa3: {  	s0 =	sshll.u32 s0, $0x4;
	[sflag:s24] =	ssyncadd.s32 $0xFFFFC000  }
0xa4: {  	[tilespmem:s16], [sflag:$0x1] =	stream.indirect.gather [hbm4b:s8+s15], $0x80, s11, s15, $0xb8;
	[tilespmem:$0x1E400] =	vst v63  }
0xa5: {  	s0 =	sadd.s32 s1, s0  }
0xa6: {  	[tilespmem:s17], [sflag:$0x1] =	stream.linear.gather [hbm4b:s0+s10], $0x4000, $0x38;
	[tilespmem:$0x1E400] =	vst v63  }
0xa7: {  	_ =	swait.ge [sflag:s25], $0x4000  }
0xa8: {  	[sflag:s25] =	ssyncset.done $0x0  }
0xa9: {  	[sflag:s25] =	ssyncadd.s32 $0xFFFFC000  }
0xaa: {  	_ =	swait.ge [sflag:s25], $0x4000  }
0xab: {  	[sflag:s25] =	ssyncset.done $0x0  }
0xac: {  	s0 =	simm.s32 $0x0;
	[sflag:s25] =	ssyncadd.s32 $0xFFFFC000  }
0xad: {  	v7 =	vld [tilespmem:s0+$0x1A400]  }
0xae: {  	v11 =	vld [tilespmem:s0+$0x1A410]  }
0xaf: {  	v5 =	vld [tilespmem:s0+$0x1A420]  }
0xb0: {  	v4 =	vld [tilespmem:s0+$0x1A430]  }
0xb1: {  	v3 =	vld [tilespmem:s0+$0x1A440]  }
0xb2: {  	v2 =	vld [tilespmem:s0+$0x1A450]  }
0xb3: {  	v1 =	vld [tilespmem:s0+$0x1A460]  }
0xb4: {  	v0 =	vld [tilespmem:s0+$0x1A470]  }
0xb5: {  	v12 =	vld [tilespmem:s0+$0xE400]  }
0xb6: {  	v13 =	vld [tilespmem:s0+$0xE410]  }
0xb7: {  	v10 =	vld [tilespmem:s0+$0xE420]  }
0xb8: {  	v9 =	vld [tilespmem:s0+$0xE430]  }
0xb9: {  	v8 =	vld [tilespmem:s0+$0xE440]  }
0xba: {  	v6 =	vld [tilespmem:s0+$0xE450];
	v12 =	vadd.f32 v7, v12  }
0xbb: {  	s7 =	simm.s32 $0x200;
	v11 =	vadd.f32 v11, v13;
	v7 =	vld [tilespmem:s0+$0xE460]  }
.LBB2_9:
0xbc: {  	s9 =	sshra.s32 s7, $0x2;
	p0 =	sne.s32 s7, $0xFE00;
	[tilespmem:s0+$0xE400] =	vst v12;
	v5 =	vadd.f32 v5, v10;
	v10 =	vld [tilespmem:s0+$0xE470]  }
0xbd: {  	v12 =	vld [tilespmem:s9+$0x1A400];
	[tilespmem:s0+$0xE410] =	vst v11;
	v4 =	vadd.f32 v4, v9  }
0xbe: {  	v11 =	vld [tilespmem:s9+$0x1A410];
	[tilespmem:s0+$0xE420] =	vst v5;
	v3 =	vadd.f32 v3, v8  }
0xbf: {  	v5 =	vld [tilespmem:s9+$0x1A420];
	[tilespmem:s0+$0xE430] =	vst v4;
	v2 =	vadd.f32 v2, v6  }
0xc0: {  	v4 =	vld [tilespmem:s9+$0x1A430];
	[tilespmem:s0+$0xE440] =	vst v3;
	v1 =	vadd.f32 v1, v7  }
0xc1: {  	v3 =	vld [tilespmem:s9+$0x1A440];
	[tilespmem:s0+$0xE450] =	vst v2;
	v0 =	vadd.f32 v0, v10  }
0xc2: {  	v2 =	vld [tilespmem:s9+$0x1A450];
	[tilespmem:s0+$0xE460] =	vst v1  }
0xc3: {  	v1 =	vld [tilespmem:s9+$0x1A460];
	[tilespmem:s0+$0xE470] =	vst v0;
	s0 =	smov.u32 s9  }
0xc4: {  	v0 =	vld [tilespmem:s0+$0x1A470]  }
0xc5: {  	v6 =	vld [tilespmem:s0+$0xE400]  }
0xc6: {  	v7 =	vld [tilespmem:s0+$0xE410]  }
.Ltmp3:
0xc7: {  	v10 =	vld [tilespmem:s0+$0xE420];
	(pc) =	sbr.rel @p0 .LBB2_9-.Ltmp3, $4  }
0xc8: {  	v9 =	vld [tilespmem:s0+$0xE430]  }
0xc9: {  	v8 =	vld [tilespmem:s0+$0xE440]  }
0xca: {  	v12 =	vadd.f32 v12, v6;
	v6 =	vld [tilespmem:s0+$0xE450]  }
0xcb: {  	s7 =	sadd.s32 $0x200, s7;
	v11 =	vadd.f32 v11, v7;
	v7 =	vld [tilespmem:s0+$0xE460]  }
0xcc: {  	[tilespmem:s0+$0xE400] =	vst v12;
	v5 =	vadd.f32 v5, v10;
	v63 =	vld [tilespmem:s0+$0xE470]  }
0xcd: {  	[tilespmem:s0+$0xE410] =	vst v11;
	v4 =	vadd.f32 v4, v9  }
0xce: {  	s2 =	sadd.s32 $0x1, s2;
	[tilespmem:s0+$0xE420] =	vst v5;
	v3 =	vadd.f32 v3, v8  }
0xcf: {  	p0 =	sne.s32 s2, $0x42;
	[tilespmem:s0+$0xE430] =	vst v4;
	v2 =	vadd.f32 v2, v6  }
.Ltmp4:
0xd0: {  	s7 =	sshll.u32 s28, $0xE;
	[tilespmem:s0+$0xE440] =	vst v3;
	v1 =	vadd.f32 v1, v7;
	(pc) =	sbr.rel @p0 .LBB2_4-.Ltmp4, $4  }
0xd1: {  	s7 =	sadd.s32 s5, s7;
	[tilespmem:s0+$0xE450] =	vst v2;
	v0 =	vadd.f32 v0, v63  }
0xd2: {  	s7 =	sshrl.u32 s7, $0x3;
	[tilespmem:s0+$0xE460] =	vst v1  }
0xd3: {  	s28 =	sadd.s32 s3, s7;
	[tilespmem:s0+$0xE470] =	vst v0  }
0xd4: {  	[hbm4b:s28+s4] =	stream.linear.scatter [tilespmem:s22], [sflag:$0x6], $0x4000, $0x38;
	[tilespmem:$0x1E400] =	vst v63  }
0xd5: {  	_ =	swait.ge [sflag:s26], $0x4000  }
0xd6: {  	[sflag:s26] =	ssyncset.done $0x0  }
0xd7: {  	s0 =	simm.s32 $0x6380;
	[sflag:s26] =	ssyncadd.s32 $0xFFFFC000  }
0xd8: {  	[tilespmem:s18], [sflag:$0x2] =	stream.indirect.gather [hbm4b:s8+s15], $0x80, s0, s15, $0xb8;
	[tilespmem:$0x1E400] =	vst v63  }
0xd9: {  	s28 =	simm.s32 $0x0;
	s2 =	rddreg [dreg:$0x6]  }
0xda: {  	[tilespmem:s19], [sflag:$0x2] =	stream.linear.gather [hbm4b:s2+s28], $0x4000, $0x38;
	[tilespmem:$0x1E400] =	vst v63  }
0xdb: {  	_ =	swait.ge [sflag:s20], $0x4000  }
0xdc: {  	[sflag:s20] =	ssyncset.done $0x0  }
0xdd: {  	[sflag:s20] =	ssyncadd.s32 $0xFFFFC000  }
0xde: {  	_ =	swait.ge [sflag:s20], $0x4000  }
0xdf: {  	[sflag:s20] =	ssyncset.done $0x0  }
0xe0: {  	s0 =	simm.s32 $0x0;
	[sflag:s20] =	ssyncadd.s32 $0xFFFFC000  }
0xe1: {  	v7 =	vld [tilespmem:s0+$0x12400]  }
0xe2: {  	v11 =	vld [tilespmem:s0+$0x12410]  }
0xe3: {  	v5 =	vld [tilespmem:s0+$0x12420]  }
0xe4: {  	v4 =	vld [tilespmem:s0+$0x12430]  }
0xe5: {  	v3 =	vld [tilespmem:s0+$0x12440]  }
0xe6: {  	v2 =	vld [tilespmem:s0+$0x12450]  }
0xe7: {  	v1 =	vld [tilespmem:s0+$0x12460]  }
0xe8: {  	v0 =	vld [tilespmem:s0+$0x12470]  }
0xe9: {  	v12 =	vld [tilespmem:s0+$0x6400]  }
0xea: {  	v13 =	vld [tilespmem:s0+$0x6410]  }
0xeb: {  	v10 =	vld [tilespmem:s0+$0x6420]  }
0xec: {  	v9 =	vld [tilespmem:s0+$0x6430]  }
0xed: {  	v8 =	vld [tilespmem:s0+$0x6440]  }
0xee: {  	v6 =	vld [tilespmem:s0+$0x6450];
	v12 =	vadd.f32 v7, v12  }
0xef: {  	s2 =	simm.s32 $0x200;
	v11 =	vadd.f32 v11, v13;
	v7 =	vld [tilespmem:s0+$0x6460]  }
.LBB2_12:
0xf0: {  	s7 =	sshra.s32 s2, $0x2;
	p0 =	sne.s32 s2, $0xFE00;
	[tilespmem:s0+$0x6400] =	vst v12;
	v5 =	vadd.f32 v5, v10;
	v10 =	vld [tilespmem:s0+$0x6470]  }
0xf1: {  	v12 =	vld [tilespmem:s7+$0x12400];
	[tilespmem:s0+$0x6410] =	vst v11;
	v4 =	vadd.f32 v4, v9  }
0xf2: {  	v11 =	vld [tilespmem:s7+$0x12410];
	[tilespmem:s0+$0x6420] =	vst v5;
	v3 =	vadd.f32 v3, v8  }
0xf3: {  	v5 =	vld [tilespmem:s7+$0x12420];
	[tilespmem:s0+$0x6430] =	vst v4;
	v2 =	vadd.f32 v2, v6  }
0xf4: {  	v4 =	vld [tilespmem:s7+$0x12430];
	[tilespmem:s0+$0x6440] =	vst v3;
	v1 =	vadd.f32 v1, v7  }
0xf5: {  	v3 =	vld [tilespmem:s7+$0x12440];
	[tilespmem:s0+$0x6450] =	vst v2;
	v0 =	vadd.f32 v0, v10  }
0xf6: {  	v2 =	vld [tilespmem:s7+$0x12450];
	[tilespmem:s0+$0x6460] =	vst v1  }
0xf7: {  	v1 =	vld [tilespmem:s7+$0x12460];
	[tilespmem:s0+$0x6470] =	vst v0;
	s0 =	smov.u32 s7  }
0xf8: {  	v0 =	vld [tilespmem:s0+$0x12470]  }
0xf9: {  	v6 =	vld [tilespmem:s0+$0x6400]  }
0xfa: {  	v7 =	vld [tilespmem:s0+$0x6410]  }
.Ltmp5:
0xfb: {  	v10 =	vld [tilespmem:s0+$0x6420];
	(pc) =	sbr.rel @p0 .LBB2_12-.Ltmp5, $4  }
0xfc: {  	v9 =	vld [tilespmem:s0+$0x6430]  }
0xfd: {  	v8 =	vld [tilespmem:s0+$0x6440]  }
0xfe: {  	v12 =	vadd.f32 v12, v6;
	v6 =	vld [tilespmem:s0+$0x6450]  }
0xff: {  	s2 =	sadd.s32 $0x200, s2;
	v11 =	vadd.f32 v11, v7;
	v7 =	vld [tilespmem:s0+$0x6460]  }
0x100: {  	[tilespmem:s0+$0x6400] =	vst v12;
	v5 =	vadd.f32 v5, v10;
	v10 =	vld [tilespmem:s0+$0x6470]  }
0x101: {  	[tilespmem:s0+$0x6410] =	vst v11;
	v4 =	vadd.f32 v4, v9  }
0x102: {  	[tilespmem:s0+$0x6420] =	vst v5;
	v3 =	vadd.f32 v3, v8  }
0x103: {  	[tilespmem:s0+$0x6430] =	vst v4;
	v2 =	vadd.f32 v2, v6  }
0x104: {  	[tilespmem:s0+$0x6440] =	vst v3;
	v1 =	vadd.f32 v1, v7  }
0x105: {  	[tilespmem:s0+$0x6450] =	vst v2;
	v0 =	vadd.f32 v0, v10  }
0x106: {  	[tilespmem:s0+$0x6460] =	vst v1  }
0x107: {  	s28 =	simm.s32 $0x0;
	s2 =	rddreg [dreg:$0x7];
	[tilespmem:s0+$0x6470] =	vst v0  }
0x108: {  	[hbm4b:s2+s28] =	stream.linear.scatter [tilespmem:s17], [sflag:$0x4], $0x4000, $0x38;
	[tilespmem:$0x1E400] =	vst v63  }
0x109: {  	_ =	swait.ge [sflag:s23], $0x4000  }
0x10a: {  	[sflag:s23] =	ssyncset.done $0x0  }
0x10b: {  	[sflag:s23] =	ssyncadd.s32 $0xFFFFC000  }
0x10c: {  	_ =	swait.ge [sflag:s23], $0x4000  }
0x10d: {  	[sflag:s23] =	ssyncset.done $0x0  }
0x10e: {  	s0 =	simm.s32 $0x0;
	[sflag:s23] =	ssyncadd.s32 $0xFFFFC000  }
0x10f: {  	v7 =	vld [tilespmem:s0+$0x16400]  }
0x110: {  	v11 =	vld [tilespmem:s0+$0x16410]  }
0x111: {  	v5 =	vld [tilespmem:s0+$0x16420]  }
0x112: {  	v4 =	vld [tilespmem:s0+$0x16430]  }
0x113: {  	v3 =	vld [tilespmem:s0+$0x16440]  }
0x114: {  	v2 =	vld [tilespmem:s0+$0x16450]  }
0x115: {  	v1 =	vld [tilespmem:s0+$0x16460]  }
0x116: {  	v0 =	vld [tilespmem:s0+$0x16470]  }
0x117: {  	v12 =	vld [tilespmem:s0+$0xA400]  }
0x118: {  	v13 =	vld [tilespmem:s0+$0xA410]  }
0x119: {  	v10 =	vld [tilespmem:s0+$0xA420]  }
0x11a: {  	v9 =	vld [tilespmem:s0+$0xA430]  }
0x11b: {  	v8 =	vld [tilespmem:s0+$0xA440]  }
0x11c: {  	v6 =	vld [tilespmem:s0+$0xA450];
	v12 =	vadd.f32 v7, v12  }
0x11d: {  	s2 =	simm.s32 $0x200;
	v11 =	vadd.f32 v11, v13;
	v7 =	vld [tilespmem:s0+$0xA460]  }
.LBB2_14:
0x11e: {  	s7 =	sshra.s32 s2, $0x2;
	p0 =	sne.s32 s2, $0xFE00;
	[tilespmem:s0+$0xA400] =	vst v12;
	v5 =	vadd.f32 v5, v10;
	v10 =	vld [tilespmem:s0+$0xA470]  }
0x11f: {  	v12 =	vld [tilespmem:s7+$0x16400];
	[tilespmem:s0+$0xA410] =	vst v11;
	v4 =	vadd.f32 v4, v9  }
0x120: {  	v11 =	vld [tilespmem:s7+$0x16410];
	[tilespmem:s0+$0xA420] =	vst v5;
	v3 =	vadd.f32 v3, v8  }
0x121: {  	v5 =	vld [tilespmem:s7+$0x16420];
	[tilespmem:s0+$0xA430] =	vst v4;
	v2 =	vadd.f32 v2, v6  }
0x122: {  	v4 =	vld [tilespmem:s7+$0x16430];
	[tilespmem:s0+$0xA440] =	vst v3;
	v1 =	vadd.f32 v1, v7  }
0x123: {  	v3 =	vld [tilespmem:s7+$0x16440];
	[tilespmem:s0+$0xA450] =	vst v2;
	v0 =	vadd.f32 v0, v10  }
0x124: {  	v2 =	vld [tilespmem:s7+$0x16450];
	[tilespmem:s0+$0xA460] =	vst v1  }
0x125: {  	v1 =	vld [tilespmem:s7+$0x16460];
	[tilespmem:s0+$0xA470] =	vst v0;
	s0 =	smov.u32 s7  }
0x126: {  	v0 =	vld [tilespmem:s0+$0x16470]  }
0x127: {  	v6 =	vld [tilespmem:s0+$0xA400]  }
0x128: {  	v7 =	vld [tilespmem:s0+$0xA410]  }
.Ltmp6:
0x129: {  	v10 =	vld [tilespmem:s0+$0xA420];
	(pc) =	sbr.rel @p0 .LBB2_14-.Ltmp6, $4  }
0x12a: {  	v9 =	vld [tilespmem:s0+$0xA430]  }
0x12b: {  	v8 =	vld [tilespmem:s0+$0xA440]  }
0x12c: {  	v12 =	vadd.f32 v12, v6;
	v6 =	vld [tilespmem:s0+$0xA450]  }
0x12d: {  	s2 =	sadd.s32 $0x200, s2;
	v11 =	vadd.f32 v11, v7;
	v7 =	vld [tilespmem:s0+$0xA460]  }
0x12e: {  	[tilespmem:s0+$0xA400] =	vst v12;
	v5 =	vadd.f32 v5, v10;
	v63 =	vld [tilespmem:s0+$0xA470]  }
0x12f: {  	[tilespmem:s0+$0xA410] =	vst v11;
	v4 =	vadd.f32 v4, v9  }
0x130: {  	[tilespmem:s0+$0xA420] =	vst v5;
	v3 =	vadd.f32 v3, v8  }
0x131: {  	[tilespmem:s0+$0xA430] =	vst v4;
	v2 =	vadd.f32 v2, v6  }
0x132: {  	[tilespmem:s0+$0xA440] =	vst v3;
	v1 =	vadd.f32 v1, v7  }
0x133: {  	[tilespmem:s0+$0xA450] =	vst v2;
	v0 =	vadd.f32 v0, v63  }
0x134: {  	[tilespmem:s0+$0xA460] =	vst v1  }
0x135: {  	[tilespmem:s0+$0xA470] =	vst v0  }
0x136: {  	[hbm4b:s12+s4] =	stream.linear.scatter [tilespmem:s19], [sflag:$0x5], $0x4000, $0x38;
	[tilespmem:$0x1E400] =	vst v63  }
0x137: {  	_ =	swait.ge [sflag:s29], $0x4000  }
0x138: {  	[sflag:s29] =	ssyncset.done $0x0  }
0x139: {  	s30 =	sadd.s32 $0x1, s30;
	[sflag:s29] =	ssyncadd.s32 $0xFFFFC000  }
0x13a: {  	p0 =	sne.s32 s30, s13;
	_ =	swait.ge [sflag:s24], $0x4000  }
.Ltmp7:
0x13b: {  	[sflag:s24] =	ssyncset.done $0x0;
	(pc) =	sbr.rel @p0 .LBB2_1-.Ltmp7, $4  }
0x13c: {  	[sflag:s24] =	ssyncadd.s32 $0xFFFFC000  }
0x13d: {  	_ =	swait.ge [sflag:s26], $0x4000  }
0x13e: {  	[sflag:s26] =	ssyncset.done $0x0  }
0x13f: {  	[sflag:s26] =	ssyncadd.s32 $0xFFFFC000  }
0x140: {  	_ =	sfence.sel $0x180000  }
0x141: {  	[bflag:$0x0] =	sbarrier.arrive $0xFFFF  }
0x142: {  	_ =	strace $0x90000047  }
0x143: {  	s0 =	stileid.u32;
	[bflag:$0x2] =	sbarrier.arrive $0xFFFF  }
0x144: {  	p0 =	sne.s32 s0, $0x0;
	s0 =	rddreg [dreg:$0x3]  }
0x145: {  	s0 =	sadd.s32 @!p0 $0x100000, s0  }
0x146: {  	[sflag:s0] =	ssyncadd.tile.s32 @!p0 $0x1;
	_ =	shalt  }
.Lfunc_end2:
_tile_overlayer_lowered:
.L_overlay_start_2:
0x147: {  	(tag) =	ssettag $0x2  }
0x148: {  	s0 =	rddreg [dreg:$0x0];
	s2 =	stileid.u32  }
0x149: {  	s1 =	rddreg [dreg:$0x1];
	p0 =	sne.s32 s2, $0x0  }
0x14a: {  	s3 =	rddreg [dreg:$0x2];
	[bflag:$0x3] =	sbarrier.arrive $0xFFFF;
	s2 =	simm.s32 @!p0 $0x1C07  }
0x14b: {  	[timem:s3], [sflag:s2] =	dma.local @!p0 [hbm:s0], s1  }
0x14c: {  	s0 =	simm.s32 @!p0 $0x7  }
0x14d: {  	_ =	swait.ge @!p0 [sflag:s0], s1  }
0x14e: {  	s1 =	ssub.s32 @!p0 $0x0, s1;
	[sflag:s0] =	ssyncset.done @!p0 $0x0  }
0x14f: {  	[sflag:s0] =	ssyncadd.s32 @!p0 s1  }
0x150: {  	[bflag:$0x3] =	sbarrier.arrive $0xFFFF  }
0x151: {  	_ =	shalt  }

</sc_bundles>
